<compile_context>
chip_gen: v7x
topology: tpu7x:2x2x1
jax: 0.10.2.dev20260603
libtpu: 0.0.44.dev20260713+nightly
codegen_flags: <defaults>
</compile_context>

<pallas_src>
import functools

import jax
import jax.numpy as jnp
from jax import lax
from jax.experimental import pallas as pl
from jax.experimental.pallas import tpu as pltpu
from jax.experimental.pallas import tpu_sc as plsc

N_NODE = 10000
N_EDGE = 2000
NNZ = 320000
D = 128
W = 144
ONES_COL = 128
EDGE_PAD = 2048
NODE_PAD = 10240
BLK = 1000
FBLK = 1024


def _mm_body(x_ref, w_ref, o_ref):
    acc = jnp.dot(x_ref[...], w_ref[...], preferred_element_type=jnp.float32)
    col = lax.broadcasted_iota(jnp.int32, (BLK, W), 1)
    o_ref[...] = acc + jnp.where(col == ONES_COL, 1.0, 0.0)


def _mm(x, wp):
    return pl.pallas_call(
        _mm_body,
        grid=(N_NODE // BLK,),
        in_specs=[
            pl.BlockSpec((BLK, D), lambda i: (i, 0)),
            pl.BlockSpec((D, W), lambda i: (0, 0)),
        ],
        out_specs=pl.BlockSpec((BLK, W), lambda i: (i, 0)),
        out_shape=jax.ShapeDtypeStruct((N_NODE, W), jnp.float32),
    )(x, wp)


def _merge_body(a_ref, b_ref, o_ref):
    t = a_ref[...] + b_ref[...]
    cnt = jnp.maximum(t[:, ONES_COL:ONES_COL + 1], 1.0)
    o_ref[...] = t / cnt


def _merge(ep):
    return pl.pallas_call(
        _merge_body,
        grid=(1,),
        in_specs=[
            pl.BlockSpec((EDGE_PAD, W), lambda i: (0, 0)),
            pl.BlockSpec((EDGE_PAD, W), lambda i: (1, 0)),
        ],
        out_specs=pl.BlockSpec((EDGE_PAD, W), lambda i: (0, 0)),
        out_shape=jax.ShapeDtypeStruct((EDGE_PAD, W), jnp.float32),
    )(ep, ep)


def _final_body(a_ref, b_ref, bias_ref, o_ref):
    t = a_ref[...] + b_ref[...]
    cnt = jnp.maximum(t[:, ONES_COL:ONES_COL + 1], 1.0)
    o_ref[...] = t[:, :D] / cnt + bias_ref[...]


def _final(vp, bias2d):
    nb = NODE_PAD // FBLK
    return pl.pallas_call(
        _final_body,
        grid=(nb,),
        in_specs=[
            pl.BlockSpec((FBLK, W), lambda i: (i, 0)),
            pl.BlockSpec((FBLK, W), lambda i: (i + nb, 0)),
            pl.BlockSpec((1, D), lambda i: (0, 0)),
        ],
        out_specs=pl.BlockSpec((FBLK, D), lambda i: (i, 0)),
        out_shape=jax.ShapeDtypeStruct((NODE_PAD, D), jnp.float32),
    )(vp, vp, bias2d)


def _make_sc_phase(n_src, n_dst, B, G):
    rows_per_tile = n_dst // 16
    chunk = NNZ // 32
    nb = chunk // B
    ng = nb // G
    assert nb % G == 0
    mesh = plsc.VectorSubcoreMesh(core_axis_name="c", subcore_axis_name="s")

    @functools.partial(
        pl.kernel,
        mesh=mesh,
        compiler_params=pltpu.CompilerParams(use_tc_tiling_on_sc=False),
        out_type=jax.ShapeDtypeStruct((2 * n_dst, W), jnp.float32),
        scratch_types=[
            pltpu.VMEM((G, B), jnp.int32),
            pltpu.VMEM((2, G, B), jnp.int32),
            pltpu.VMEM_SHARED((n_dst, W), jnp.float32),
        ]
        + [pltpu.VMEM((B, W), jnp.float32) for _ in range(G)]
        + [pltpu.SemaphoreType.DMA for _ in range(2 * G)],
    )
    def phase(src_hbm, gidx_hbm, didx_hbm, z_hbm, out_hbm,
              gibuf, dibuf, acc, *rest):
        rows = rest[:G]
        gsem = rest[G:2 * G]
        ssem = rest[2 * G:]
        c = lax.axis_index("c")
        s = lax.axis_index("s")
        r0 = s * rows_per_tile
        pltpu.sync_copy(z_hbm.at[pl.ds(r0, rows_per_tile)],
                        acc.at[pl.ds(r0, rows_per_tile)])
        tb = (c * 16 + s) * nb
        pltpu.sync_copy(gidx_hbm.at[pl.ds(tb, G)], gibuf)
        pltpu.sync_copy(didx_hbm.at[pl.ds(tb, G)], dibuf.at[0])
        plsc.subcore_barrier()

        def group(g, carry):
            p = lax.rem(g, 2)
            gd = [pltpu.async_copy(src_hbm.at[gibuf.at[b]],
                                   rows[b], gsem[b]) for b in range(G)]
            sd = []
            for b in range(G):
                gd[b].wait()
                sd.append(pltpu.async_copy(rows[b], acc.at[dibuf.at[p, b]],
                                           ssem[b], add=True))
            nxt = tb + jnp.minimum((g + 1) * G, nb - G)
            pltpu.sync_copy(gidx_hbm.at[pl.ds(nxt, G)], gibuf)
            pltpu.sync_copy(didx_hbm.at[pl.ds(nxt, G)], dibuf.at[1 - p])
            for d in sd:
                d.wait()
            return carry

        lax.fori_loop(0, ng, group, 0)
        plsc.subcore_barrier()
        pltpu.sync_copy(acc.at[pl.ds(r0, rows_per_tile)],
                        out_hbm.at[pl.ds(c * n_dst + r0, rows_per_tile)])

    return phase


BE = 80
BV = 50
_phase_e = _make_sc_phase(N_NODE, EDGE_PAD, BE, 5)
_phase_v = _make_sc_phase(EDGE_PAD, NODE_PAD, BV, 5)


def kernel(input, V, E, weight, bias):
    x = input.astype(jnp.float32)
    v32 = V.astype(jnp.int32)
    e32 = E.astype(jnp.int32)
    wp = jnp.pad(weight.astype(jnp.float32), ((0, 0), (0, W - D)))
    z = jnp.zeros((NODE_PAD, W), jnp.float32)
    xp = _mm(x, wp)
    ep = _phase_e(xp, v32.reshape(NNZ // BE, BE), e32.reshape(NNZ // BE, BE),
                  z)
    xe = _merge(ep)
    vp = _phase_v(xe, e32.reshape(NNZ // BV, BV), v32.reshape(NNZ // BV, BV),
                  z)
    out = _final(vp, bias.reshape(1, D).astype(jnp.float32))
    return out[:N_NODE]

# --- scband reference (transcript-rebuilt; emitter-appended) ---
"""Pipeline reference for scband-hgnnconv-18296560681439 (READ-ONLY COPY).

The authoritative reference and input builder live on the scoring server;
editing this copy changes nothing except your own understanding.
"""

import jax, jax.numpy as jnp
import numpy as np

NUM_NODE = 10000
NUM_HEDGE = 2000
NNZ = 320000
D_IN = 128
D_OUT = 128


def setup_inputs(seed: int = 0) -> dict:
    key = jax.random.key(seed)
    k1, k2, k3, k4, k5 = jax.random.split(key, 5)
    x = jax.random.normal(k1, (NUM_NODE, D_IN), dtype=jnp.float32)
    V = jax.random.randint(k2, (NNZ,), 0, NUM_NODE, dtype=jnp.int64)
    E = jax.random.randint(k3, (NNZ,), 0, NUM_HEDGE, dtype=jnp.int64)
    stdv = 1.0 / np.sqrt(D_OUT)
    weight = jax.random.uniform(k4, (D_IN, D_OUT), dtype=jnp.float32, minval=-stdv, maxval=stdv)
    bias = jax.random.uniform(k5, (D_OUT,), dtype=jnp.float32, minval=-stdv, maxval=stdv)
    return {"input": x, "V": V, "E": E, "weight": weight, "bias": bias}


def _scatter_mean(vals, idx, num_segments):
    summed = jax.ops.segment_sum(vals, idx, num_segments=num_segments)
    counts = jax.ops.segment_sum(jnp.ones((vals.shape[0],), dtype=vals.dtype), idx, num_segments=num_segments)
    return summed / jnp.maximum(counts, 1.0)[:, None]


def reference(input, V, E, weight, bias):
    # X = input @ W
    X = jnp.dot(input, weight)
    # gather node features per incidence entry
    Xve = X[V]
    # hyperedge features: mean over incident nodes
    Xe = _scatter_mean(Xve, E, NUM_HEDGE)
    # gather hyperedge features back per incidence entry
    Xev = Xe[E]
    # node features: mean over incident hyperedges (dim_size = num_node)
    Xv = _scatter_mean(Xev, V, NUM_NODE)
    return Xv + bias

if __name__ == "__main__":
    import jax
    _d = setup_inputs()
    print(jax.jit(kernel)(*tuple(_d.values())))

</pallas_src>

<mosaic_0001>
#map = affine_map<(d0, d1) -> (0, 0)>
module attributes {stable_mosaic.version = 14 : i64} {
  func.func @phase(%arg0: i32, %arg1: i32, %arg2: memref<2048x144xf32, #tpu.memory_space<hbm>>, %arg3: memref<6400x50xi32, #tpu.memory_space<hbm>>, %arg4: memref<6400x50xi32, #tpu.memory_space<hbm>>, %arg5: memref<10240x144xf32, #tpu.memory_space<hbm>>, %arg6: memref<20480x144xf32, #tpu.memory_space<hbm>>, %arg7: memref<5x50xi32, #tpu.memory_space<vmem>>, %arg8: memref<2x5x50xi32, #tpu.memory_space<vmem>>, %arg9: memref<10240x144xf32, #tpu.memory_space<vmem_shared>>, %arg10: memref<50x144xf32, #tpu.memory_space<vmem>>, %arg11: memref<50x144xf32, #tpu.memory_space<vmem>>, %arg12: memref<50x144xf32, #tpu.memory_space<vmem>>, %arg13: memref<50x144xf32, #tpu.memory_space<vmem>>, %arg14: memref<50x144xf32, #tpu.memory_space<vmem>>, %arg15: memref<!tpu.dma_semaphore, #tpu.memory_space<semaphore_mem>>, %arg16: memref<!tpu.dma_semaphore, #tpu.memory_space<semaphore_mem>>, %arg17: memref<!tpu.dma_semaphore, #tpu.memory_space<semaphore_mem>>, %arg18: memref<!tpu.dma_semaphore, #tpu.memory_space<semaphore_mem>>, %arg19: memref<!tpu.dma_semaphore, #tpu.memory_space<semaphore_mem>>, %arg20: memref<!tpu.dma_semaphore, #tpu.memory_space<semaphore_mem>>, %arg21: memref<!tpu.dma_semaphore, #tpu.memory_space<semaphore_mem>>, %arg22: memref<!tpu.dma_semaphore, #tpu.memory_space<semaphore_mem>>, %arg23: memref<!tpu.dma_semaphore, #tpu.memory_space<semaphore_mem>>, %arg24: memref<!tpu.dma_semaphore, #tpu.memory_space<semaphore_mem>>) attributes {dimension_semantics = [#tpu.dimension_semantics<core_parallel>, #tpu.dimension_semantics<subcore_parallel>], iteration_bounds = array<i64: 2, 16>, scalar_prefetch = 0 : i64, scratch_operands = 18 : i64, tpu.core_type = #tpu.core_type<sc_vector_subcore>, window_params = [{transform_indices = #map}, {transform_indices = #map}, {transform_indices = #map}, {transform_indices = #map}, {transform_indices = #map}]} {
    %mul3A = arith.constant 640 : i32
    %mul3A_0 = arith.muli %arg1, %mul3A : i32
    "tpu.region"() ({
      %run_scoped3A_14 = tpu.sem_alloc : memref<!tpu.dma_semaphore, #tpu.memory_space<semaphore_mem>>
      %dma_start3A = arith.constant 0 : i32
      %dma_start3A_15 = tpu.memref_slice %arg9[%mul3A_0, %dma_start3A] : memref<10240x144xf32, #tpu.memory_space<vmem_shared>> -> memref<640x144xf32, #tpu.memory_space<vmem_shared>>
      %dma_start3A_16 = arith.constant 0 : i32
      %dma_start3A_17 = tpu.memref_slice %arg5[%mul3A_0, %dma_start3A_16] : memref<10240x144xf32, #tpu.memory_space<hbm>> -> memref<640x144xf32, #tpu.memory_space<hbm>>
      tpu.enqueue_dma source(%dma_start3A_17 : memref<640x144xf32, #tpu.memory_space<hbm>>) target(%dma_start3A_15 : memref<640x144xf32, #tpu.memory_space<vmem_shared>>) target_semaphore(%run_scoped3A_14 : memref<!tpu.dma_semaphore, #tpu.memory_space<semaphore_mem>>)
      %dma_wait3A = arith.constant 0 : i32
      %dma_wait3A_18 = tpu.memref_slice %arg9[%mul3A_0, %dma_wait3A] : memref<10240x144xf32, #tpu.memory_space<vmem_shared>> -> memref<640x144xf32, #tpu.memory_space<vmem_shared>>
      %dma_wait3A_19 = arith.constant 0 : i32
      %dma_wait3A_20 = tpu.memref_slice %arg5[%mul3A_0, %dma_wait3A_19] : memref<10240x144xf32, #tpu.memory_space<hbm>> -> memref<640x144xf32, #tpu.memory_space<hbm>>
      tpu.wait_dma2 semaphore(%run_scoped3A_14 : memref<!tpu.dma_semaphore, #tpu.memory_space<semaphore_mem>>) src(%dma_wait3A_20 : memref<640x144xf32, #tpu.memory_space<hbm>>) dst(%dma_wait3A_18 : memref<640x144xf32, #tpu.memory_space<vmem_shared>>)
      tpu.yield
    }) : () -> ()
    %mul3A_1 = arith.constant 16 : i32
    %mul3A_2 = arith.muli %arg0, %mul3A_1 : i32
    %add3A = arith.addi %mul3A_2, %arg1 : i32
    %mul3A_3 = arith.constant 200 : i32
    %mul3A_4 = arith.muli %add3A, %mul3A_3 : i32
    "tpu.region"() ({
      %run_scoped3A_14 = tpu.sem_alloc : memref<!tpu.dma_semaphore, #tpu.memory_space<semaphore_mem>>
      %dma_start3A = arith.constant 0 : i32
      %dma_start3A_15 = tpu.memref_slice %arg3[%mul3A_4, %dma_start3A] : memref<6400x50xi32, #tpu.memory_space<hbm>> -> memref<5x50xi32, #tpu.memory_space<hbm>>
      %dma_start3A_16 = arith.constant 0 : i32
      %dma_start3A_17 = tpu.memref_slice %arg3[%mul3A_4, %dma_start3A_16] : memref<6400x50xi32, #tpu.memory_space<hbm>> -> memref<5x50xi32, #tpu.memory_space<hbm>>
      tpu.enqueue_dma source(%dma_start3A_17 : memref<5x50xi32, #tpu.memory_space<hbm>>) target(%arg7 : memref<5x50xi32, #tpu.memory_space<vmem>>) target_semaphore(%run_scoped3A_14 : memref<!tpu.dma_semaphore, #tpu.memory_space<semaphore_mem>>)
      %dma_wait3A = arith.constant 0 : i32
      %dma_wait3A_18 = tpu.memref_slice %arg3[%mul3A_4, %dma_wait3A] : memref<6400x50xi32, #tpu.memory_space<hbm>> -> memref<5x50xi32, #tpu.memory_space<hbm>>
      %dma_wait3A_19 = arith.constant 0 : i32
      %dma_wait3A_20 = tpu.memref_slice %arg3[%mul3A_4, %dma_wait3A_19] : memref<6400x50xi32, #tpu.memory_space<hbm>> -> memref<5x50xi32, #tpu.memory_space<hbm>>
      tpu.wait_dma2 semaphore(%run_scoped3A_14 : memref<!tpu.dma_semaphore, #tpu.memory_space<semaphore_mem>>) src(%dma_wait3A_20 : memref<5x50xi32, #tpu.memory_space<hbm>>) dst(%arg7 : memref<5x50xi32, #tpu.memory_space<vmem>>)
      tpu.yield
    }) : () -> ()
    %run_scoped3A = arith.constant 0 : i32
    "tpu.region"() ({
      %run_scoped3A_14 = tpu.sem_alloc : memref<!tpu.dma_semaphore, #tpu.memory_space<semaphore_mem>>
      %dma_start3A = arith.constant 0 : i32
      %dma_start3A_15 = arith.constant 0 : i32
      %dma_start3A_16 = tpu.memref_slice %arg8[%run_scoped3A, %dma_start3A, %dma_start3A_15] : memref<2x5x50xi32, #tpu.memory_space<vmem>> -> memref<1x5x50xi32, #tpu.memory_space<vmem>>
      %dma_start3A_17 = tpu.memref_squeeze %dma_start3A_16 : memref<1x5x50xi32, #tpu.memory_space<vmem>> -> memref<5x50xi32, #tpu.memory_space<vmem>>
      %dma_start3A_18 = arith.constant 0 : i32
      %dma_start3A_19 = tpu.memref_slice %arg4[%mul3A_4, %dma_start3A_18] : memref<6400x50xi32, #tpu.memory_space<hbm>> -> memref<5x50xi32, #tpu.memory_space<hbm>>
      %dma_start3A_20 = arith.constant 0 : i32
      %dma_start3A_21 = arith.constant 0 : i32
      %dma_start3A_22 = tpu.memref_slice %arg8[%run_scoped3A, %dma_start3A_20, %dma_start3A_21] : memref<2x5x50xi32, #tpu.memory_space<vmem>> -> memref<1x5x50xi32, #tpu.memory_space<vmem>>
      %dma_start3A_23 = tpu.memref_squeeze %dma_start3A_22 : memref<1x5x50xi32, #tpu.memory_space<vmem>> -> memref<5x50xi32, #tpu.memory_space<vmem>>
      %dma_start3A_24 = arith.constant 0 : i32
      %dma_start3A_25 = tpu.memref_slice %arg4[%mul3A_4, %dma_start3A_24] : memref<6400x50xi32, #tpu.memory_space<hbm>> -> memref<5x50xi32, #tpu.memory_space<hbm>>
      tpu.enqueue_dma source(%dma_start3A_25 : memref<5x50xi32, #tpu.memory_space<hbm>>) target(%dma_start3A_23 : memref<5x50xi32, #tpu.memory_space<vmem>>) target_semaphore(%run_scoped3A_14 : memref<!tpu.dma_semaphore, #tpu.memory_space<semaphore_mem>>)
      %dma_wait3A = arith.constant 0 : i32
      %dma_wait3A_26 = arith.constant 0 : i32
      %dma_wait3A_27 = tpu.memref_slice %arg8[%run_scoped3A, %dma_wait3A, %dma_wait3A_26] : memref<2x5x50xi32, #tpu.memory_space<vmem>> -> memref<1x5x50xi32, #tpu.memory_space<vmem>>
      %dma_wait3A_28 = tpu.memref_squeeze %dma_wait3A_27 : memref<1x5x50xi32, #tpu.memory_space<vmem>> -> memref<5x50xi32, #tpu.memory_space<vmem>>
      %dma_wait3A_29 = arith.constant 0 : i32
      %dma_wait3A_30 = tpu.memref_slice %arg4[%mul3A_4, %dma_wait3A_29] : memref<6400x50xi32, #tpu.memory_space<hbm>> -> memref<5x50xi32, #tpu.memory_space<hbm>>
      %dma_wait3A_31 = arith.constant 0 : i32
      %dma_wait3A_32 = arith.constant 0 : i32
      %dma_wait3A_33 = tpu.memref_slice %arg8[%run_scoped3A, %dma_wait3A_31, %dma_wait3A_32] : memref<2x5x50xi32, #tpu.memory_space<vmem>> -> memref<1x5x50xi32, #tpu.memory_space<vmem>>
      %dma_wait3A_34 = tpu.memref_squeeze %dma_wait3A_33 : memref<1x5x50xi32, #tpu.memory_space<vmem>> -> memref<5x50xi32, #tpu.memory_space<vmem>>
      %dma_wait3A_35 = arith.constant 0 : i32
      %dma_wait3A_36 = tpu.memref_slice %arg4[%mul3A_4, %dma_wait3A_35] : memref<6400x50xi32, #tpu.memory_space<hbm>> -> memref<5x50xi32, #tpu.memory_space<hbm>>
      tpu.wait_dma2 semaphore(%run_scoped3A_14 : memref<!tpu.dma_semaphore, #tpu.memory_space<semaphore_mem>>) src(%dma_wait3A_36 : memref<5x50xi32, #tpu.memory_space<hbm>>) dst(%dma_wait3A_34 : memref<5x50xi32, #tpu.memory_space<vmem>>)
      tpu.yield
    }) : () -> ()
    %barrier3A = arith.constant 0 : index
    tpu.barrier barrier_id(%barrier3A)
    %scan3A = arith.constant 0 : i32
    %scan3A_5 = arith.constant 0 : i32
    %scan3A_6 = arith.constant 40 : i32
    %scan3A_7 = arith.addi %scan3A_5, %scan3A_6 : i32
    %scan3A_8 = arith.constant 1 : i32
    scf.for %scan3A_14 = %scan3A_5 to %scan3A_7 step %scan3A_8  : i32 {
      %rem3A = arith.constant 2 : i32
      %rem3A_15 = arith.remsi %scan3A_14, %rem3A : i32
      %dma_start3A = arith.constant 0 : i32
      %dma_start3A_16 = arith.constant 0 : i32
      %dma_start3A_17 = tpu.memref_slice %arg7[%dma_start3A, %dma_start3A_16] : memref<5x50xi32, #tpu.memory_space<vmem>> -> memref<1x50xi32, #tpu.memory_space<vmem>>
      %dma_start3A_18 = tpu.memref_squeeze %dma_start3A_17 : memref<1x50xi32, #tpu.memory_space<vmem>> -> memref<50xi32, #tpu.memory_space<vmem>>
      %dma_start3A_19 = arith.constant 0 : i32
      %dma_start3A_20 = arith.constant 0 : i32
      %dma_start3A_21 = tpu.memref_slice %arg2[%dma_start3A_19, %dma_start3A_20] : memref<2048x144xf32, #tpu.memory_space<hbm>> -> memref<2048x144xf32, #tpu.memory_space<hbm>>
      tpu.enqueue_indirect_dma source(%dma_start3A_21 : memref<2048x144xf32, #tpu.memory_space<hbm>>) target(%arg10 : memref<50x144xf32, #tpu.memory_space<vmem>>) offsets(%dma_start3A_18 : memref<50xi32, #tpu.memory_space<vmem>>) semaphore(%arg15 : memref<!tpu.dma_semaphore, #tpu.memory_space<semaphore_mem>>)
      %dma_start3A_22 = arith.constant 1 : i32
      %dma_start3A_23 = arith.constant 0 : i32
      %dma_start3A_24 = tpu.memref_slice %arg7[%dma_start3A_22, %dma_start3A_23] : memref<5x50xi32, #tpu.memory_space<vmem>> -> memref<1x50xi32, #tpu.memory_space<vmem>>
      %dma_start3A_25 = tpu.memref_squeeze %dma_start3A_24 : memref<1x50xi32, #tpu.memory_space<vmem>> -> memref<50xi32, #tpu.memory_space<vmem>>
      %dma_start3A_26 = arith.constant 0 : i32
      %dma_start3A_27 = arith.constant 0 : i32
      %dma_start3A_28 = tpu.memref_slice %arg2[%dma_start3A_26, %dma_start3A_27] : memref<2048x144xf32, #tpu.memory_space<hbm>> -> memref<2048x144xf32, #tpu.memory_space<hbm>>
      tpu.enqueue_indirect_dma source(%dma_start3A_28 : memref<2048x144xf32, #tpu.memory_space<hbm>>) target(%arg11 : memref<50x144xf32, #tpu.memory_space<vmem>>) offsets(%dma_start3A_25 : memref<50xi32, #tpu.memory_space<vmem>>) semaphore(%arg16 : memref<!tpu.dma_semaphore, #tpu.memory_space<semaphore_mem>>)
      %dma_start3A_29 = arith.constant 2 : i32
      %dma_start3A_30 = arith.constant 0 : i32
      %dma_start3A_31 = tpu.memref_slice %arg7[%dma_start3A_29, %dma_start3A_30] : memref<5x50xi32, #tpu.memory_space<vmem>> -> memref<1x50xi32, #tpu.memory_space<vmem>>
      %dma_start3A_32 = tpu.memref_squeeze %dma_start3A_31 : memref<1x50xi32, #tpu.memory_space<vmem>> -> memref<50xi32, #tpu.memory_space<vmem>>
      %dma_start3A_33 = arith.constant 0 : i32
      %dma_start3A_34 = arith.constant 0 : i32
      %dma_start3A_35 = tpu.memref_slice %arg2[%dma_start3A_33, %dma_start3A_34] : memref<2048x144xf32, #tpu.memory_space<hbm>> -> memref<2048x144xf32, #tpu.memory_space<hbm>>
      tpu.enqueue_indirect_dma source(%dma_start3A_35 : memref<2048x144xf32, #tpu.memory_space<hbm>>) target(%arg12 : memref<50x144xf32, #tpu.memory_space<vmem>>) offsets(%dma_start3A_32 : memref<50xi32, #tpu.memory_space<vmem>>) semaphore(%arg17 : memref<!tpu.dma_semaphore, #tpu.memory_space<semaphore_mem>>)
      %dma_start3A_36 = arith.constant 3 : i32
      %dma_start3A_37 = arith.constant 0 : i32
      %dma_start3A_38 = tpu.memref_slice %arg7[%dma_start3A_36, %dma_start3A_37] : memref<5x50xi32, #tpu.memory_space<vmem>> -> memref<1x50xi32, #tpu.memory_space<vmem>>
      %dma_start3A_39 = tpu.memref_squeeze %dma_start3A_38 : memref<1x50xi32, #tpu.memory_space<vmem>> -> memref<50xi32, #tpu.memory_space<vmem>>
      %dma_start3A_40 = arith.constant 0 : i32
      %dma_start3A_41 = arith.constant 0 : i32
      %dma_start3A_42 = tpu.memref_slice %arg2[%dma_start3A_40, %dma_start3A_41] : memref<2048x144xf32, #tpu.memory_space<hbm>> -> memref<2048x144xf32, #tpu.memory_space<hbm>>
      tpu.enqueue_indirect_dma source(%dma_start3A_42 : memref<2048x144xf32, #tpu.memory_space<hbm>>) target(%arg13 : memref<50x144xf32, #tpu.memory_space<vmem>>) offsets(%dma_start3A_39 : memref<50xi32, #tpu.memory_space<vmem>>) semaphore(%arg18 : memref<!tpu.dma_semaphore, #tpu.memory_space<semaphore_mem>>)
      %dma_start3A_43 = arith.constant 4 : i32
      %dma_start3A_44 = arith.constant 0 : i32
      %dma_start3A_45 = tpu.memref_slice %arg7[%dma_start3A_43, %dma_start3A_44] : memref<5x50xi32, #tpu.memory_space<vmem>> -> memref<1x50xi32, #tpu.memory_space<vmem>>
      %dma_start3A_46 = tpu.memref_squeeze %dma_start3A_45 : memref<1x50xi32, #tpu.memory_space<vmem>> -> memref<50xi32, #tpu.memory_space<vmem>>
      %dma_start3A_47 = arith.constant 0 : i32
      %dma_start3A_48 = arith.constant 0 : i32
      %dma_start3A_49 = tpu.memref_slice %arg2[%dma_start3A_47, %dma_start3A_48] : memref<2048x144xf32, #tpu.memory_space<hbm>> -> memref<2048x144xf32, #tpu.memory_space<hbm>>
      tpu.enqueue_indirect_dma source(%dma_start3A_49 : memref<2048x144xf32, #tpu.memory_space<hbm>>) target(%arg14 : memref<50x144xf32, #tpu.memory_space<vmem>>) offsets(%dma_start3A_46 : memref<50xi32, #tpu.memory_space<vmem>>) semaphore(%arg19 : memref<!tpu.dma_semaphore, #tpu.memory_space<semaphore_mem>>)
      %dma_wait3A = arith.constant 0 : i32
      %dma_wait3A_50 = arith.constant 0 : i32
      %dma_wait3A_51 = tpu.memref_slice %arg7[%dma_wait3A, %dma_wait3A_50] : memref<5x50xi32, #tpu.memory_space<vmem>> -> memref<1x50xi32, #tpu.memory_space<vmem>>
      %dma_wait3A_52 = tpu.memref_squeeze %dma_wait3A_51 : memref<1x50xi32, #tpu.memory_space<vmem>> -> memref<50xi32, #tpu.memory_space<vmem>>
      %dma_wait3A_53 = arith.constant 0 : i32
      %dma_wait3A_54 = arith.constant 0 : i32
      %dma_wait3A_55 = tpu.memref_slice %arg2[%dma_wait3A_53, %dma_wait3A_54] : memref<2048x144xf32, #tpu.memory_space<hbm>> -> memref<2048x144xf32, #tpu.memory_space<hbm>>
      tpu.wait_indirect_dma semaphore(%arg15 : memref<!tpu.dma_semaphore, #tpu.memory_space<semaphore_mem>>) src(%dma_wait3A_55 : memref<2048x144xf32, #tpu.memory_space<hbm>>) dst(%arg10 : memref<50x144xf32, #tpu.memory_space<vmem>>)
      %dma_start3A_56 = arith.constant 0 : i32
      %dma_start3A_57 = arith.constant 0 : i32
      %dma_start3A_58 = tpu.memref_slice %arg8[%rem3A_15, %dma_start3A_56, %dma_start3A_57] : memref<2x5x50xi32, #tpu.memory_space<vmem>> -> memref<1x1x50xi32, #tpu.memory_space<vmem>>
      %dma_start3A_59 = tpu.memref_squeeze %dma_start3A_58 : memref<1x1x50xi32, #tpu.memory_space<vmem>> -> memref<50xi32, #tpu.memory_space<vmem>>
      %dma_start3A_60 = arith.constant 0 : i32
      %dma_start3A_61 = arith.constant 0 : i32
      %dma_start3A_62 = tpu.memref_slice %arg9[%dma_start3A_60, %dma_start3A_61] : memref<10240x144xf32, #tpu.memory_space<vmem_shared>> -> memref<10240x144xf32, #tpu.memory_space<vmem_shared>>
      tpu.enqueue_indirect_dma source(%arg10 : memref<50x144xf32, #tpu.memory_space<vmem>>) target(%dma_start3A_62 : memref<10240x144xf32, #tpu.memory_space<vmem_shared>>) offsets(%dma_start3A_59 : memref<50xi32, #tpu.memory_space<vmem>>) semaphore(%arg20 : memref<!tpu.dma_semaphore, #tpu.memory_space<semaphore_mem>>) {add = true}
      %dma_wait3A_63 = arith.constant 1 : i32
      %dma_wait3A_64 = arith.constant 0 : i32
      %dma_wait3A_65 = tpu.memref_slice %arg7[%dma_wait3A_63, %dma_wait3A_64] : memref<5x50xi32, #tpu.memory_space<vmem>> -> memref<1x50xi32, #tpu.memory_space<vmem>>
      %dma_wait3A_66 = tpu.memref_squeeze %dma_wait3A_65 : memref<1x50xi32, #tpu.memory_space<vmem>> -> memref<50xi32, #tpu.memory_space<vmem>>
      %dma_wait3A_67 = arith.constant 0 : i32
      %dma_wait3A_68 = arith.constant 0 : i32
      %dma_wait3A_69 = tpu.memref_slice %arg2[%dma_wait3A_67, %dma_wait3A_68] : memref<2048x144xf32, #tpu.memory_space<hbm>> -> memref<2048x144xf32, #tpu.memory_space<hbm>>
      tpu.wait_indirect_dma semaphore(%arg16 : memref<!tpu.dma_semaphore, #tpu.memory_space<semaphore_mem>>) src(%dma_wait3A_69 : memref<2048x144xf32, #tpu.memory_space<hbm>>) dst(%arg11 : memref<50x144xf32, #tpu.memory_space<vmem>>)
      %dma_start3A_70 = arith.constant 1 : i32
      %dma_start3A_71 = arith.constant 0 : i32
      %dma_start3A_72 = tpu.memref_slice %arg8[%rem3A_15, %dma_start3A_70, %dma_start3A_71] : memref<2x5x50xi32, #tpu.memory_space<vmem>> -> memref<1x1x50xi32, #tpu.memory_space<vmem>>
      %dma_start3A_73 = tpu.memref_squeeze %dma_start3A_72 : memref<1x1x50xi32, #tpu.memory_space<vmem>> -> memref<50xi32, #tpu.memory_space<vmem>>
      %dma_start3A_74 = arith.constant 0 : i32
      %dma_start3A_75 = arith.constant 0 : i32
      %dma_start3A_76 = tpu.memref_slice %arg9[%dma_start3A_74, %dma_start3A_75] : memref<10240x144xf32, #tpu.memory_space<vmem_shared>> -> memref<10240x144xf32, #tpu.memory_space<vmem_shared>>
      tpu.enqueue_indirect_dma source(%arg11 : memref<50x144xf32, #tpu.memory_space<vmem>>) target(%dma_start3A_76 : memref<10240x144xf32, #tpu.memory_space<vmem_shared>>) offsets(%dma_start3A_73 : memref<50xi32, #tpu.memory_space<vmem>>) semaphore(%arg21 : memref<!tpu.dma_semaphore, #tpu.memory_space<semaphore_mem>>) {add = true}
      %dma_wait3A_77 = arith.constant 2 : i32
      %dma_wait3A_78 = arith.constant 0 : i32
      %dma_wait3A_79 = tpu.memref_slice %arg7[%dma_wait3A_77, %dma_wait3A_78] : memref<5x50xi32, #tpu.memory_space<vmem>> -> memref<1x50xi32, #tpu.memory_space<vmem>>
      %dma_wait3A_80 = tpu.memref_squeeze %dma_wait3A_79 : memref<1x50xi32, #tpu.memory_space<vmem>> -> memref<50xi32, #tpu.memory_space<vmem>>
      %dma_wait3A_81 = arith.constant 0 : i32
      %dma_wait3A_82 = arith.constant 0 : i32
      %dma_wait3A_83 = tpu.memref_slice %arg2[%dma_wait3A_81, %dma_wait3A_82] : memref<2048x144xf32, #tpu.memory_space<hbm>> -> memref<2048x144xf32, #tpu.memory_space<hbm>>
      tpu.wait_indirect_dma semaphore(%arg17 : memref<!tpu.dma_semaphore, #tpu.memory_space<semaphore_mem>>) src(%dma_wait3A_83 : memref<2048x144xf32, #tpu.memory_space<hbm>>) dst(%arg12 : memref<50x144xf32, #tpu.memory_space<vmem>>)
      %dma_start3A_84 = arith.constant 2 : i32
      %dma_start3A_85 = arith.constant 0 : i32
      %dma_start3A_86 = tpu.memref_slice %arg8[%rem3A_15, %dma_start3A_84, %dma_start3A_85] : memref<2x5x50xi32, #tpu.memory_space<vmem>> -> memref<1x1x50xi32, #tpu.memory_space<vmem>>
      %dma_start3A_87 = tpu.memref_squeeze %dma_start3A_86 : memref<1x1x50xi32, #tpu.memory_space<vmem>> -> memref<50xi32, #tpu.memory_space<vmem>>
      %dma_start3A_88 = arith.constant 0 : i32
      %dma_start3A_89 = arith.constant 0 : i32
      %dma_start3A_90 = tpu.memref_slice %arg9[%dma_start3A_88, %dma_start3A_89] : memref<10240x144xf32, #tpu.memory_space<vmem_shared>> -> memref<10240x144xf32, #tpu.memory_space<vmem_shared>>
      tpu.enqueue_indirect_dma source(%arg12 : memref<50x144xf32, #tpu.memory_space<vmem>>) target(%dma_start3A_90 : memref<10240x144xf32, #tpu.memory_space<vmem_shared>>) offsets(%dma_start3A_87 : memref<50xi32, #tpu.memory_space<vmem>>) semaphore(%arg22 : memref<!tpu.dma_semaphore, #tpu.memory_space<semaphore_mem>>) {add = true}
      %dma_wait3A_91 = arith.constant 3 : i32
      %dma_wait3A_92 = arith.constant 0 : i32
      %dma_wait3A_93 = tpu.memref_slice %arg7[%dma_wait3A_91, %dma_wait3A_92] : memref<5x50xi32, #tpu.memory_space<vmem>> -> memref<1x50xi32, #tpu.memory_space<vmem>>
      %dma_wait3A_94 = tpu.memref_squeeze %dma_wait3A_93 : memref<1x50xi32, #tpu.memory_space<vmem>> -> memref<50xi32, #tpu.memory_space<vmem>>
      %dma_wait3A_95 = arith.constant 0 : i32
      %dma_wait3A_96 = arith.constant 0 : i32
      %dma_wait3A_97 = tpu.memref_slice %arg2[%dma_wait3A_95, %dma_wait3A_96] : memref<2048x144xf32, #tpu.memory_space<hbm>> -> memref<2048x144xf32, #tpu.memory_space<hbm>>
      tpu.wait_indirect_dma semaphore(%arg18 : memref<!tpu.dma_semaphore, #tpu.memory_space<semaphore_mem>>) src(%dma_wait3A_97 : memref<2048x144xf32, #tpu.memory_space<hbm>>) dst(%arg13 : memref<50x144xf32, #tpu.memory_space<vmem>>)
      %dma_start3A_98 = arith.constant 3 : i32
      %dma_start3A_99 = arith.constant 0 : i32
      %dma_start3A_100 = tpu.memref_slice %arg8[%rem3A_15, %dma_start3A_98, %dma_start3A_99] : memref<2x5x50xi32, #tpu.memory_space<vmem>> -> memref<1x1x50xi32, #tpu.memory_space<vmem>>
      %dma_start3A_101 = tpu.memref_squeeze %dma_start3A_100 : memref<1x1x50xi32, #tpu.memory_space<vmem>> -> memref<50xi32, #tpu.memory_space<vmem>>
      %dma_start3A_102 = arith.constant 0 : i32
      %dma_start3A_103 = arith.constant 0 : i32
      %dma_start3A_104 = tpu.memref_slice %arg9[%dma_start3A_102, %dma_start3A_103] : memref<10240x144xf32, #tpu.memory_space<vmem_shared>> -> memref<10240x144xf32, #tpu.memory_space<vmem_shared>>
      tpu.enqueue_indirect_dma source(%arg13 : memref<50x144xf32, #tpu.memory_space<vmem>>) target(%dma_start3A_104 : memref<10240x144xf32, #tpu.memory_space<vmem_shared>>) offsets(%dma_start3A_101 : memref<50xi32, #tpu.memory_space<vmem>>) semaphore(%arg23 : memref<!tpu.dma_semaphore, #tpu.memory_space<semaphore_mem>>) {add = true}
      %dma_wait3A_105 = arith.constant 4 : i32
      %dma_wait3A_106 = arith.constant 0 : i32
      %dma_wait3A_107 = tpu.memref_slice %arg7[%dma_wait3A_105, %dma_wait3A_106] : memref<5x50xi32, #tpu.memory_space<vmem>> -> memref<1x50xi32, #tpu.memory_space<vmem>>
      %dma_wait3A_108 = tpu.memref_squeeze %dma_wait3A_107 : memref<1x50xi32, #tpu.memory_space<vmem>> -> memref<50xi32, #tpu.memory_space<vmem>>
      %dma_wait3A_109 = arith.constant 0 : i32
      %dma_wait3A_110 = arith.constant 0 : i32
      %dma_wait3A_111 = tpu.memref_slice %arg2[%dma_wait3A_109, %dma_wait3A_110] : memref<2048x144xf32, #tpu.memory_space<hbm>> -> memref<2048x144xf32, #tpu.memory_space<hbm>>
      tpu.wait_indirect_dma semaphore(%arg19 : memref<!tpu.dma_semaphore, #tpu.memory_space<semaphore_mem>>) src(%dma_wait3A_111 : memref<2048x144xf32, #tpu.memory_space<hbm>>) dst(%arg14 : memref<50x144xf32, #tpu.memory_space<vmem>>)
      %dma_start3A_112 = arith.constant 4 : i32
      %dma_start3A_113 = arith.constant 0 : i32
      %dma_start3A_114 = tpu.memref_slice %arg8[%rem3A_15, %dma_start3A_112, %dma_start3A_113] : memref<2x5x50xi32, #tpu.memory_space<vmem>> -> memref<1x1x50xi32, #tpu.memory_space<vmem>>
      %dma_start3A_115 = tpu.memref_squeeze %dma_start3A_114 : memref<1x1x50xi32, #tpu.memory_space<vmem>> -> memref<50xi32, #tpu.memory_space<vmem>>
      %dma_start3A_116 = arith.constant 0 : i32
      %dma_start3A_117 = arith.constant 0 : i32
      %dma_start3A_118 = tpu.memref_slice %arg9[%dma_start3A_116, %dma_start3A_117] : memref<10240x144xf32, #tpu.memory_space<vmem_shared>> -> memref<10240x144xf32, #tpu.memory_space<vmem_shared>>
      tpu.enqueue_indirect_dma source(%arg14 : memref<50x144xf32, #tpu.memory_space<vmem>>) target(%dma_start3A_118 : memref<10240x144xf32, #tpu.memory_space<vmem_shared>>) offsets(%dma_start3A_115 : memref<50xi32, #tpu.memory_space<vmem>>) semaphore(%arg24 : memref<!tpu.dma_semaphore, #tpu.memory_space<semaphore_mem>>) {add = true}
      %add3A_119 = arith.constant 1 : i32
      %add3A_120 = arith.addi %scan3A_14, %add3A_119 : i32
      %mul3A_121 = arith.constant 5 : i32
      %mul3A_122 = arith.muli %add3A_120, %mul3A_121 : i32
      %min3A = arith.constant 195 : i32
      %min3A_123 = arith.minsi %mul3A_122, %min3A : i32
      %add3A_124 = arith.addi %mul3A_4, %min3A_123 : i32
      "tpu.region"() ({
        %run_scoped3A_161 = tpu.sem_alloc : memref<!tpu.dma_semaphore, #tpu.memory_space<semaphore_mem>>
        %dma_start3A_162 = arith.constant 0 : i32
        %dma_start3A_163 = tpu.memref_slice %arg3[%add3A_124, %dma_start3A_162] : memref<6400x50xi32, #tpu.memory_space<hbm>> -> memref<5x50xi32, #tpu.memory_space<hbm>>
        %dma_start3A_164 = arith.constant 0 : i32
        %dma_start3A_165 = tpu.memref_slice %arg3[%add3A_124, %dma_start3A_164] : memref<6400x50xi32, #tpu.memory_space<hbm>> -> memref<5x50xi32, #tpu.memory_space<hbm>>
        tpu.enqueue_dma source(%dma_start3A_165 : memref<5x50xi32, #tpu.memory_space<hbm>>) target(%arg7 : memref<5x50xi32, #tpu.memory_space<vmem>>) target_semaphore(%run_scoped3A_161 : memref<!tpu.dma_semaphore, #tpu.memory_space<semaphore_mem>>)
        %dma_wait3A_166 = arith.constant 0 : i32
        %dma_wait3A_167 = tpu.memref_slice %arg3[%add3A_124, %dma_wait3A_166] : memref<6400x50xi32, #tpu.memory_space<hbm>> -> memref<5x50xi32, #tpu.memory_space<hbm>>
        %dma_wait3A_168 = arith.constant 0 : i32
        %dma_wait3A_169 = tpu.memref_slice %arg3[%add3A_124, %dma_wait3A_168] : memref<6400x50xi32, #tpu.memory_space<hbm>> -> memref<5x50xi32, #tpu.memory_space<hbm>>
        tpu.wait_dma2 semaphore(%run_scoped3A_161 : memref<!tpu.dma_semaphore, #tpu.memory_space<semaphore_mem>>) src(%dma_wait3A_169 : memref<5x50xi32, #tpu.memory_space<hbm>>) dst(%arg7 : memref<5x50xi32, #tpu.memory_space<vmem>>)
        tpu.yield
      }) : () -> ()
      %sub3A = arith.constant 1 : i32
      %sub3A_125 = arith.subi %sub3A, %rem3A_15 : i32
      "tpu.region"() ({
        %run_scoped3A_161 = tpu.sem_alloc : memref<!tpu.dma_semaphore, #tpu.memory_space<semaphore_mem>>
        %dma_start3A_162 = arith.constant 0 : i32
        %dma_start3A_163 = arith.constant 0 : i32
        %dma_start3A_164 = tpu.memref_slice %arg8[%sub3A_125, %dma_start3A_162, %dma_start3A_163] : memref<2x5x50xi32, #tpu.memory_space<vmem>> -> memref<1x5x50xi32, #tpu.memory_space<vmem>>
        %dma_start3A_165 = tpu.memref_squeeze %dma_start3A_164 : memref<1x5x50xi32, #tpu.memory_space<vmem>> -> memref<5x50xi32, #tpu.memory_space<vmem>>
        %dma_start3A_166 = arith.constant 0 : i32
        %dma_start3A_167 = tpu.memref_slice %arg4[%add3A_124, %dma_start3A_166] : memref<6400x50xi32, #tpu.memory_space<hbm>> -> memref<5x50xi32, #tpu.memory_space<hbm>>
        %dma_start3A_168 = arith.constant 0 : i32
        %dma_start3A_169 = arith.constant 0 : i32
        %dma_start3A_170 = tpu.memref_slice %arg8[%sub3A_125, %dma_start3A_168, %dma_start3A_169] : memref<2x5x50xi32, #tpu.memory_space<vmem>> -> memref<1x5x50xi32, #tpu.memory_space<vmem>>
        %dma_start3A_171 = tpu.memref_squeeze %dma_start3A_170 : memref<1x5x50xi32, #tpu.memory_space<vmem>> -> memref<5x50xi32, #tpu.memory_space<vmem>>
        %dma_start3A_172 = arith.constant 0 : i32
        %dma_start3A_173 = tpu.memref_slice %arg4[%add3A_124, %dma_start3A_172] : memref<6400x50xi32, #tpu.memory_space<hbm>> -> memref<5x50xi32, #tpu.memory_space<hbm>>
        tpu.enqueue_dma source(%dma_start3A_173 : memref<5x50xi32, #tpu.memory_space<hbm>>) target(%dma_start3A_171 : memref<5x50xi32, #tpu.memory_space<vmem>>) target_semaphore(%run_scoped3A_161 : memref<!tpu.dma_semaphore, #tpu.memory_space<semaphore_mem>>)
        %dma_wait3A_174 = arith.constant 0 : i32
        %dma_wait3A_175 = arith.constant 0 : i32
        %dma_wait3A_176 = tpu.memref_slice %arg8[%sub3A_125, %dma_wait3A_174, %dma_wait3A_175] : memref<2x5x50xi32, #tpu.memory_space<vmem>> -> memref<1x5x50xi32, #tpu.memory_space<vmem>>
        %dma_wait3A_177 = tpu.memref_squeeze %dma_wait3A_176 : memref<1x5x50xi32, #tpu.memory_space<vmem>> -> memref<5x50xi32, #tpu.memory_space<vmem>>
        %dma_wait3A_178 = arith.constant 0 : i32
        %dma_wait3A_179 = tpu.memref_slice %arg4[%add3A_124, %dma_wait3A_178] : memref<6400x50xi32, #tpu.memory_space<hbm>> -> memref<5x50xi32, #tpu.memory_space<hbm>>
        %dma_wait3A_180 = arith.constant 0 : i32
        %dma_wait3A_181 = arith.constant 0 : i32
        %dma_wait3A_182 = tpu.memref_slice %arg8[%sub3A_125, %dma_wait3A_180, %dma_wait3A_181] : memref<2x5x50xi32, #tpu.memory_space<vmem>> -> memref<1x5x50xi32, #tpu.memory_space<vmem>>
        %dma_wait3A_183 = tpu.memref_squeeze %dma_wait3A_182 : memref<1x5x50xi32, #tpu.memory_space<vmem>> -> memref<5x50xi32, #tpu.memory_space<vmem>>
        %dma_wait3A_184 = arith.constant 0 : i32
        %dma_wait3A_185 = tpu.memref_slice %arg4[%add3A_124, %dma_wait3A_184] : memref<6400x50xi32, #tpu.memory_space<hbm>> -> memref<5x50xi32, #tpu.memory_space<hbm>>
        tpu.wait_dma2 semaphore(%run_scoped3A_161 : memref<!tpu.dma_semaphore, #tpu.memory_space<semaphore_mem>>) src(%dma_wait3A_185 : memref<5x50xi32, #tpu.memory_space<hbm>>) dst(%dma_wait3A_183 : memref<5x50xi32, #tpu.memory_space<vmem>>)
        tpu.yield
      }) : () -> ()
      %dma_wait3A_126 = arith.constant 0 : i32
      %dma_wait3A_127 = arith.constant 0 : i32
      %dma_wait3A_128 = tpu.memref_slice %arg8[%rem3A_15, %dma_wait3A_126, %dma_wait3A_127] : memref<2x5x50xi32, #tpu.memory_space<vmem>> -> memref<1x1x50xi32, #tpu.memory_space<vmem>>
      %dma_wait3A_129 = tpu.memref_squeeze %dma_wait3A_128 : memref<1x1x50xi32, #tpu.memory_space<vmem>> -> memref<50xi32, #tpu.memory_space<vmem>>
      %dma_wait3A_130 = arith.constant 0 : i32
      %dma_wait3A_131 = arith.constant 0 : i32
      %dma_wait3A_132 = tpu.memref_slice %arg9[%dma_wait3A_130, %dma_wait3A_131] : memref<10240x144xf32, #tpu.memory_space<vmem_shared>> -> memref<10240x144xf32, #tpu.memory_space<vmem_shared>>
      tpu.wait_indirect_dma semaphore(%arg20 : memref<!tpu.dma_semaphore, #tpu.memory_space<semaphore_mem>>) src(%arg10 : memref<50x144xf32, #tpu.memory_space<vmem>>) dst(%dma_wait3A_132 : memref<10240x144xf32, #tpu.memory_space<vmem_shared>>)
      %dma_wait3A_133 = arith.constant 1 : i32
      %dma_wait3A_134 = arith.constant 0 : i32
      %dma_wait3A_135 = tpu.memref_slice %arg8[%rem3A_15, %dma_wait3A_133, %dma_wait3A_134] : memref<2x5x50xi32, #tpu.memory_space<vmem>> -> memref<1x1x50xi32, #tpu.memory_space<vmem>>
      %dma_wait3A_136 = tpu.memref_squeeze %dma_wait3A_135 : memref<1x1x50xi32, #tpu.memory_space<vmem>> -> memref<50xi32, #tpu.memory_space<vmem>>
      %dma_wait3A_137 = arith.constant 0 : i32
      %dma_wait3A_138 = arith.constant 0 : i32
      %dma_wait3A_139 = tpu.memref_slice %arg9[%dma_wait3A_137, %dma_wait3A_138] : memref<10240x144xf32, #tpu.memory_space<vmem_shared>> -> memref<10240x144xf32, #tpu.memory_space<vmem_shared>>
      tpu.wait_indirect_dma semaphore(%arg21 : memref<!tpu.dma_semaphore, #tpu.memory_space<semaphore_mem>>) src(%arg11 : memref<50x144xf32, #tpu.memory_space<vmem>>) dst(%dma_wait3A_139 : memref<10240x144xf32, #tpu.memory_space<vmem_shared>>)
      %dma_wait3A_140 = arith.constant 2 : i32
      %dma_wait3A_141 = arith.constant 0 : i32
      %dma_wait3A_142 = tpu.memref_slice %arg8[%rem3A_15, %dma_wait3A_140, %dma_wait3A_141] : memref<2x5x50xi32, #tpu.memory_space<vmem>> -> memref<1x1x50xi32, #tpu.memory_space<vmem>>
      %dma_wait3A_143 = tpu.memref_squeeze %dma_wait3A_142 : memref<1x1x50xi32, #tpu.memory_space<vmem>> -> memref<50xi32, #tpu.memory_space<vmem>>
      %dma_wait3A_144 = arith.constant 0 : i32
      %dma_wait3A_145 = arith.constant 0 : i32
      %dma_wait3A_146 = tpu.memref_slice %arg9[%dma_wait3A_144, %dma_wait3A_145] : memref<10240x144xf32, #tpu.memory_space<vmem_shared>> -> memref<10240x144xf32, #tpu.memory_space<vmem_shared>>
      tpu.wait_indirect_dma semaphore(%arg22 : memref<!tpu.dma_semaphore, #tpu.memory_space<semaphore_mem>>) src(%arg12 : memref<50x144xf32, #tpu.memory_space<vmem>>) dst(%dma_wait3A_146 : memref<10240x144xf32, #tpu.memory_space<vmem_shared>>)
      %dma_wait3A_147 = arith.constant 3 : i32
      %dma_wait3A_148 = arith.constant 0 : i32
      %dma_wait3A_149 = tpu.memref_slice %arg8[%rem3A_15, %dma_wait3A_147, %dma_wait3A_148] : memref<2x5x50xi32, #tpu.memory_space<vmem>> -> memref<1x1x50xi32, #tpu.memory_space<vmem>>
      %dma_wait3A_150 = tpu.memref_squeeze %dma_wait3A_149 : memref<1x1x50xi32, #tpu.memory_space<vmem>> -> memref<50xi32, #tpu.memory_space<vmem>>
      %dma_wait3A_151 = arith.constant 0 : i32
      %dma_wait3A_152 = arith.constant 0 : i32
      %dma_wait3A_153 = tpu.memref_slice %arg9[%dma_wait3A_151, %dma_wait3A_152] : memref<10240x144xf32, #tpu.memory_space<vmem_shared>> -> memref<10240x144xf32, #tpu.memory_space<vmem_shared>>
      tpu.wait_indirect_dma semaphore(%arg23 : memref<!tpu.dma_semaphore, #tpu.memory_space<semaphore_mem>>) src(%arg13 : memref<50x144xf32, #tpu.memory_space<vmem>>) dst(%dma_wait3A_153 : memref<10240x144xf32, #tpu.memory_space<vmem_shared>>)
      %dma_wait3A_154 = arith.constant 4 : i32
      %dma_wait3A_155 = arith.constant 0 : i32
      %dma_wait3A_156 = tpu.memref_slice %arg8[%rem3A_15, %dma_wait3A_154, %dma_wait3A_155] : memref<2x5x50xi32, #tpu.memory_space<vmem>> -> memref<1x1x50xi32, #tpu.memory_space<vmem>>
      %dma_wait3A_157 = tpu.memref_squeeze %dma_wait3A_156 : memref<1x1x50xi32, #tpu.memory_space<vmem>> -> memref<50xi32, #tpu.memory_space<vmem>>
      %dma_wait3A_158 = arith.constant 0 : i32
      %dma_wait3A_159 = arith.constant 0 : i32
      %dma_wait3A_160 = tpu.memref_slice %arg9[%dma_wait3A_158, %dma_wait3A_159] : memref<10240x144xf32, #tpu.memory_space<vmem_shared>> -> memref<10240x144xf32, #tpu.memory_space<vmem_shared>>
      tpu.wait_indirect_dma semaphore(%arg24 : memref<!tpu.dma_semaphore, #tpu.memory_space<semaphore_mem>>) src(%arg14 : memref<50x144xf32, #tpu.memory_space<vmem>>) dst(%dma_wait3A_160 : memref<10240x144xf32, #tpu.memory_space<vmem_shared>>)
    }
    %scan3A_9 = arith.constant 40 : i32
    %barrier3A_10 = arith.constant 0 : index
    tpu.barrier barrier_id(%barrier3A_10)
    %mul3A_11 = arith.constant 10240 : i32
    %mul3A_12 = arith.muli %arg0, %mul3A_11 : i32
    %add3A_13 = arith.addi %mul3A_12, %mul3A_0 : i32
    "tpu.region"() ({
      %run_scoped3A_14 = tpu.sem_alloc : memref<!tpu.dma_semaphore, #tpu.memory_space<semaphore_mem>>
      %dma_start3A = arith.constant 0 : i32
      %dma_start3A_15 = tpu.memref_slice %arg6[%add3A_13, %dma_start3A] : memref<20480x144xf32, #tpu.memory_space<hbm>> -> memref<640x144xf32, #tpu.memory_space<hbm>>
      %dma_start3A_16 = arith.constant 0 : i32
      %dma_start3A_17 = tpu.memref_slice %arg9[%mul3A_0, %dma_start3A_16] : memref<10240x144xf32, #tpu.memory_space<vmem_shared>> -> memref<640x144xf32, #tpu.memory_space<vmem_shared>>
      tpu.enqueue_dma source(%dma_start3A_17 : memref<640x144xf32, #tpu.memory_space<vmem_shared>>) target(%dma_start3A_15 : memref<640x144xf32, #tpu.memory_space<hbm>>) target_semaphore(%run_scoped3A_14 : memref<!tpu.dma_semaphore, #tpu.memory_space<semaphore_mem>>)
      %dma_wait3A = arith.constant 0 : i32
      %dma_wait3A_18 = tpu.memref_slice %arg6[%add3A_13, %dma_wait3A] : memref<20480x144xf32, #tpu.memory_space<hbm>> -> memref<640x144xf32, #tpu.memory_space<hbm>>
      %dma_wait3A_19 = arith.constant 0 : i32
      %dma_wait3A_20 = tpu.memref_slice %arg9[%mul3A_0, %dma_wait3A_19] : memref<10240x144xf32, #tpu.memory_space<vmem_shared>> -> memref<640x144xf32, #tpu.memory_space<vmem_shared>>
      tpu.wait_dma2 semaphore(%run_scoped3A_14 : memref<!tpu.dma_semaphore, #tpu.memory_space<semaphore_mem>>) src(%dma_wait3A_20 : memref<640x144xf32, #tpu.memory_space<vmem_shared>>) dst(%dma_wait3A_18 : memref<640x144xf32, #tpu.memory_space<hbm>>)
      tpu.yield
    }) : () -> ()
    return
  }
}

#map = affine_map<(d0, d1) -> (0, 0)>
module attributes {stable_mosaic.version = 14 : i64} {
  func.func @phase(%arg0: i32, %arg1: i32, %arg2: memref<10000x144xf32, #tpu.memory_space<hbm>>, %arg3: memref<4000x80xi32, #tpu.memory_space<hbm>>, %arg4: memref<4000x80xi32, #tpu.memory_space<hbm>>, %arg5: memref<10240x144xf32, #tpu.memory_space<hbm>>, %arg6: memref<4096x144xf32, #tpu.memory_space<hbm>>, %arg7: memref<5x80xi32, #tpu.memory_space<vmem>>, %arg8: memref<2x5x80xi32, #tpu.memory_space<vmem>>, %arg9: memref<2048x144xf32, #tpu.memory_space<vmem_shared>>, %arg10: memref<80x144xf32, #tpu.memory_space<vmem>>, %arg11: memref<80x144xf32, #tpu.memory_space<vmem>>, %arg12: memref<80x144xf32, #tpu.memory_space<vmem>>, %arg13: memref<80x144xf32, #tpu.memory_space<vmem>>, %arg14: memref<80x144xf32, #tpu.memory_space<vmem>>, %arg15: memref<!tpu.dma_semaphore, #tpu.memory_space<semaphore_mem>>, %arg16: memref<!tpu.dma_semaphore, #tpu.memory_space<semaphore_mem>>, %arg17: memref<!tpu.dma_semaphore, #tpu.memory_space<semaphore_mem>>, %arg18: memref<!tpu.dma_semaphore, #tpu.memory_space<semaphore_mem>>, %arg19: memref<!tpu.dma_semaphore, #tpu.memory_space<semaphore_mem>>, %arg20: memref<!tpu.dma_semaphore, #tpu.memory_space<semaphore_mem>>, %arg21: memref<!tpu.dma_semaphore, #tpu.memory_space<semaphore_mem>>, %arg22: memref<!tpu.dma_semaphore, #tpu.memory_space<semaphore_mem>>, %arg23: memref<!tpu.dma_semaphore, #tpu.memory_space<semaphore_mem>>, %arg24: memref<!tpu.dma_semaphore, #tpu.memory_space<semaphore_mem>>) attributes {dimension_semantics = [#tpu.dimension_semantics<core_parallel>, #tpu.dimension_semantics<subcore_parallel>], iteration_bounds = array<i64: 2, 16>, scalar_prefetch = 0 : i64, scratch_operands = 18 : i64, tpu.core_type = #tpu.core_type<sc_vector_subcore>, window_params = [{transform_indices = #map}, {transform_indices = #map}, {transform_indices = #map}, {transform_indices = #map}, {transform_indices = #map}]} {
    %mul3A = arith.constant 128 : i32
    %mul3A_0 = arith.muli %arg1, %mul3A : i32
    "tpu.region"() ({
      %run_scoped3A_14 = tpu.sem_alloc : memref<!tpu.dma_semaphore, #tpu.memory_space<semaphore_mem>>
      %dma_start3A = arith.constant 0 : i32
      %dma_start3A_15 = tpu.memref_slice %arg9[%mul3A_0, %dma_start3A] : memref<2048x144xf32, #tpu.memory_space<vmem_shared>> -> memref<128x144xf32, #tpu.memory_space<vmem_shared>>
      %dma_start3A_16 = arith.constant 0 : i32
      %dma_start3A_17 = tpu.memref_slice %arg5[%mul3A_0, %dma_start3A_16] : memref<10240x144xf32, #tpu.memory_space<hbm>> -> memref<128x144xf32, #tpu.memory_space<hbm>>
      tpu.enqueue_dma source(%dma_start3A_17 : memref<128x144xf32, #tpu.memory_space<hbm>>) target(%dma_start3A_15 : memref<128x144xf32, #tpu.memory_space<vmem_shared>>) target_semaphore(%run_scoped3A_14 : memref<!tpu.dma_semaphore, #tpu.memory_space<semaphore_mem>>)
      %dma_wait3A = arith.constant 0 : i32
      %dma_wait3A_18 = tpu.memref_slice %arg9[%mul3A_0, %dma_wait3A] : memref<2048x144xf32, #tpu.memory_space<vmem_shared>> -> memref<128x144xf32, #tpu.memory_space<vmem_shared>>
      %dma_wait3A_19 = arith.constant 0 : i32
      %dma_wait3A_20 = tpu.memref_slice %arg5[%mul3A_0, %dma_wait3A_19] : memref<10240x144xf32, #tpu.memory_space<hbm>> -> memref<128x144xf32, #tpu.memory_space<hbm>>
      tpu.wait_dma2 semaphore(%run_scoped3A_14 : memref<!tpu.dma_semaphore, #tpu.memory_space<semaphore_mem>>) src(%dma_wait3A_20 : memref<128x144xf32, #tpu.memory_space<hbm>>) dst(%dma_wait3A_18 : memref<128x144xf32, #tpu.memory_space<vmem_shared>>)
      tpu.yield
    }) : () -> ()
    %mul3A_1 = arith.constant 16 : i32
    %mul3A_2 = arith.muli %arg0, %mul3A_1 : i32
    %add3A = arith.addi %mul3A_2, %arg1 : i32
    %mul3A_3 = arith.constant 125 : i32
    %mul3A_4 = arith.muli %add3A, %mul3A_3 : i32
    "tpu.region"() ({
      %run_scoped3A_14 = tpu.sem_alloc : memref<!tpu.dma_semaphore, #tpu.memory_space<semaphore_mem>>
      %dma_start3A = arith.constant 0 : i32
      %dma_start3A_15 = tpu.memref_slice %arg3[%mul3A_4, %dma_start3A] : memref<4000x80xi32, #tpu.memory_space<hbm>> -> memref<5x80xi32, #tpu.memory_space<hbm>>
      %dma_start3A_16 = arith.constant 0 : i32
      %dma_start3A_17 = tpu.memref_slice %arg3[%mul3A_4, %dma_start3A_16] : memref<4000x80xi32, #tpu.memory_space<hbm>> -> memref<5x80xi32, #tpu.memory_space<hbm>>
      tpu.enqueue_dma source(%dma_start3A_17 : memref<5x80xi32, #tpu.memory_space<hbm>>) target(%arg7 : memref<5x80xi32, #tpu.memory_space<vmem>>) target_semaphore(%run_scoped3A_14 : memref<!tpu.dma_semaphore, #tpu.memory_space<semaphore_mem>>)
      %dma_wait3A = arith.constant 0 : i32
      %dma_wait3A_18 = tpu.memref_slice %arg3[%mul3A_4, %dma_wait3A] : memref<4000x80xi32, #tpu.memory_space<hbm>> -> memref<5x80xi32, #tpu.memory_space<hbm>>
      %dma_wait3A_19 = arith.constant 0 : i32
      %dma_wait3A_20 = tpu.memref_slice %arg3[%mul3A_4, %dma_wait3A_19] : memref<4000x80xi32, #tpu.memory_space<hbm>> -> memref<5x80xi32, #tpu.memory_space<hbm>>
      tpu.wait_dma2 semaphore(%run_scoped3A_14 : memref<!tpu.dma_semaphore, #tpu.memory_space<semaphore_mem>>) src(%dma_wait3A_20 : memref<5x80xi32, #tpu.memory_space<hbm>>) dst(%arg7 : memref<5x80xi32, #tpu.memory_space<vmem>>)
      tpu.yield
    }) : () -> ()
    %run_scoped3A = arith.constant 0 : i32
    "tpu.region"() ({
      %run_scoped3A_14 = tpu.sem_alloc : memref<!tpu.dma_semaphore, #tpu.memory_space<semaphore_mem>>
      %dma_start3A = arith.constant 0 : i32
      %dma_start3A_15 = arith.constant 0 : i32
      %dma_start3A_16 = tpu.memref_slice %arg8[%run_scoped3A, %dma_start3A, %dma_start3A_15] : memref<2x5x80xi32, #tpu.memory_space<vmem>> -> memref<1x5x80xi32, #tpu.memory_space<vmem>>
      %dma_start3A_17 = tpu.memref_squeeze %dma_start3A_16 : memref<1x5x80xi32, #tpu.memory_space<vmem>> -> memref<5x80xi32, #tpu.memory_space<vmem>>
      %dma_start3A_18 = arith.constant 0 : i32
      %dma_start3A_19 = tpu.memref_slice %arg4[%mul3A_4, %dma_start3A_18] : memref<4000x80xi32, #tpu.memory_space<hbm>> -> memref<5x80xi32, #tpu.memory_space<hbm>>
      %dma_start3A_20 = arith.constant 0 : i32
      %dma_start3A_21 = arith.constant 0 : i32
      %dma_start3A_22 = tpu.memref_slice %arg8[%run_scoped3A, %dma_start3A_20, %dma_start3A_21] : memref<2x5x80xi32, #tpu.memory_space<vmem>> -> memref<1x5x80xi32, #tpu.memory_space<vmem>>
      %dma_start3A_23 = tpu.memref_squeeze %dma_start3A_22 : memref<1x5x80xi32, #tpu.memory_space<vmem>> -> memref<5x80xi32, #tpu.memory_space<vmem>>
      %dma_start3A_24 = arith.constant 0 : i32
      %dma_start3A_25 = tpu.memref_slice %arg4[%mul3A_4, %dma_start3A_24] : memref<4000x80xi32, #tpu.memory_space<hbm>> -> memref<5x80xi32, #tpu.memory_space<hbm>>
      tpu.enqueue_dma source(%dma_start3A_25 : memref<5x80xi32, #tpu.memory_space<hbm>>) target(%dma_start3A_23 : memref<5x80xi32, #tpu.memory_space<vmem>>) target_semaphore(%run_scoped3A_14 : memref<!tpu.dma_semaphore, #tpu.memory_space<semaphore_mem>>)
      %dma_wait3A = arith.constant 0 : i32
      %dma_wait3A_26 = arith.constant 0 : i32
      %dma_wait3A_27 = tpu.memref_slice %arg8[%run_scoped3A, %dma_wait3A, %dma_wait3A_26] : memref<2x5x80xi32, #tpu.memory_space<vmem>> -> memref<1x5x80xi32, #tpu.memory_space<vmem>>
      %dma_wait3A_28 = tpu.memref_squeeze %dma_wait3A_27 : memref<1x5x80xi32, #tpu.memory_space<vmem>> -> memref<5x80xi32, #tpu.memory_space<vmem>>
      %dma_wait3A_29 = arith.constant 0 : i32
      %dma_wait3A_30 = tpu.memref_slice %arg4[%mul3A_4, %dma_wait3A_29] : memref<4000x80xi32, #tpu.memory_space<hbm>> -> memref<5x80xi32, #tpu.memory_space<hbm>>
      %dma_wait3A_31 = arith.constant 0 : i32
      %dma_wait3A_32 = arith.constant 0 : i32
      %dma_wait3A_33 = tpu.memref_slice %arg8[%run_scoped3A, %dma_wait3A_31, %dma_wait3A_32] : memref<2x5x80xi32, #tpu.memory_space<vmem>> -> memref<1x5x80xi32, #tpu.memory_space<vmem>>
      %dma_wait3A_34 = tpu.memref_squeeze %dma_wait3A_33 : memref<1x5x80xi32, #tpu.memory_space<vmem>> -> memref<5x80xi32, #tpu.memory_space<vmem>>
      %dma_wait3A_35 = arith.constant 0 : i32
      %dma_wait3A_36 = tpu.memref_slice %arg4[%mul3A_4, %dma_wait3A_35] : memref<4000x80xi32, #tpu.memory_space<hbm>> -> memref<5x80xi32, #tpu.memory_space<hbm>>
      tpu.wait_dma2 semaphore(%run_scoped3A_14 : memref<!tpu.dma_semaphore, #tpu.memory_space<semaphore_mem>>) src(%dma_wait3A_36 : memref<5x80xi32, #tpu.memory_space<hbm>>) dst(%dma_wait3A_34 : memref<5x80xi32, #tpu.memory_space<vmem>>)
      tpu.yield
    }) : () -> ()
    %barrier3A = arith.constant 0 : index
    tpu.barrier barrier_id(%barrier3A)
    %scan3A = arith.constant 0 : i32
    %scan3A_5 = arith.constant 0 : i32
    %scan3A_6 = arith.constant 25 : i32
    %scan3A_7 = arith.addi %scan3A_5, %scan3A_6 : i32
    %scan3A_8 = arith.constant 1 : i32
    scf.for %scan3A_14 = %scan3A_5 to %scan3A_7 step %scan3A_8  : i32 {
      %rem3A = arith.constant 2 : i32
      %rem3A_15 = arith.remsi %scan3A_14, %rem3A : i32
      %dma_start3A = arith.constant 0 : i32
      %dma_start3A_16 = arith.constant 0 : i32
      %dma_start3A_17 = tpu.memref_slice %arg7[%dma_start3A, %dma_start3A_16] : memref<5x80xi32, #tpu.memory_space<vmem>> -> memref<1x80xi32, #tpu.memory_space<vmem>>
      %dma_start3A_18 = tpu.memref_squeeze %dma_start3A_17 : memref<1x80xi32, #tpu.memory_space<vmem>> -> memref<80xi32, #tpu.memory_space<vmem>>
      %dma_start3A_19 = arith.constant 0 : i32
      %dma_start3A_20 = arith.constant 0 : i32
      %dma_start3A_21 = tpu.memref_slice %arg2[%dma_start3A_19, %dma_start3A_20] : memref<10000x144xf32, #tpu.memory_space<hbm>> -> memref<10000x144xf32, #tpu.memory_space<hbm>>
      tpu.enqueue_indirect_dma source(%dma_start3A_21 : memref<10000x144xf32, #tpu.memory_space<hbm>>) target(%arg10 : memref<80x144xf32, #tpu.memory_space<vmem>>) offsets(%dma_start3A_18 : memref<80xi32, #tpu.memory_space<vmem>>) semaphore(%arg15 : memref<!tpu.dma_semaphore, #tpu.memory_space<semaphore_mem>>)
      %dma_start3A_22 = arith.constant 1 : i32
      %dma_start3A_23 = arith.constant 0 : i32
      %dma_start3A_24 = tpu.memref_slice %arg7[%dma_start3A_22, %dma_start3A_23] : memref<5x80xi32, #tpu.memory_space<vmem>> -> memref<1x80xi32, #tpu.memory_space<vmem>>
      %dma_start3A_25 = tpu.memref_squeeze %dma_start3A_24 : memref<1x80xi32, #tpu.memory_space<vmem>> -> memref<80xi32, #tpu.memory_space<vmem>>
      %dma_start3A_26 = arith.constant 0 : i32
      %dma_start3A_27 = arith.constant 0 : i32
      %dma_start3A_28 = tpu.memref_slice %arg2[%dma_start3A_26, %dma_start3A_27] : memref<10000x144xf32, #tpu.memory_space<hbm>> -> memref<10000x144xf32, #tpu.memory_space<hbm>>
      tpu.enqueue_indirect_dma source(%dma_start3A_28 : memref<10000x144xf32, #tpu.memory_space<hbm>>) target(%arg11 : memref<80x144xf32, #tpu.memory_space<vmem>>) offsets(%dma_start3A_25 : memref<80xi32, #tpu.memory_space<vmem>>) semaphore(%arg16 : memref<!tpu.dma_semaphore, #tpu.memory_space<semaphore_mem>>)
      %dma_start3A_29 = arith.constant 2 : i32
      %dma_start3A_30 = arith.constant 0 : i32
      %dma_start3A_31 = tpu.memref_slice %arg7[%dma_start3A_29, %dma_start3A_30] : memref<5x80xi32, #tpu.memory_space<vmem>> -> memref<1x80xi32, #tpu.memory_space<vmem>>
      %dma_start3A_32 = tpu.memref_squeeze %dma_start3A_31 : memref<1x80xi32, #tpu.memory_space<vmem>> -> memref<80xi32, #tpu.memory_space<vmem>>
      %dma_start3A_33 = arith.constant 0 : i32
      %dma_start3A_34 = arith.constant 0 : i32
      %dma_start3A_35 = tpu.memref_slice %arg2[%dma_start3A_33, %dma_start3A_34] : memref<10000x144xf32, #tpu.memory_space<hbm>> -> memref<10000x144xf32, #tpu.memory_space<hbm>>
      tpu.enqueue_indirect_dma source(%dma_start3A_35 : memref<10000x144xf32, #tpu.memory_space<hbm>>) target(%arg12 : memref<80x144xf32, #tpu.memory_space<vmem>>) offsets(%dma_start3A_32 : memref<80xi32, #tpu.memory_space<vmem>>) semaphore(%arg17 : memref<!tpu.dma_semaphore, #tpu.memory_space<semaphore_mem>>)
      %dma_start3A_36 = arith.constant 3 : i32
      %dma_start3A_37 = arith.constant 0 : i32
      %dma_start3A_38 = tpu.memref_slice %arg7[%dma_start3A_36, %dma_start3A_37] : memref<5x80xi32, #tpu.memory_space<vmem>> -> memref<1x80xi32, #tpu.memory_space<vmem>>
      %dma_start3A_39 = tpu.memref_squeeze %dma_start3A_38 : memref<1x80xi32, #tpu.memory_space<vmem>> -> memref<80xi32, #tpu.memory_space<vmem>>
      %dma_start3A_40 = arith.constant 0 : i32
      %dma_start3A_41 = arith.constant 0 : i32
      %dma_start3A_42 = tpu.memref_slice %arg2[%dma_start3A_40, %dma_start3A_41] : memref<10000x144xf32, #tpu.memory_space<hbm>> -> memref<10000x144xf32, #tpu.memory_space<hbm>>
      tpu.enqueue_indirect_dma source(%dma_start3A_42 : memref<10000x144xf32, #tpu.memory_space<hbm>>) target(%arg13 : memref<80x144xf32, #tpu.memory_space<vmem>>) offsets(%dma_start3A_39 : memref<80xi32, #tpu.memory_space<vmem>>) semaphore(%arg18 : memref<!tpu.dma_semaphore, #tpu.memory_space<semaphore_mem>>)
      %dma_start3A_43 = arith.constant 4 : i32
      %dma_start3A_44 = arith.constant 0 : i32
      %dma_start3A_45 = tpu.memref_slice %arg7[%dma_start3A_43, %dma_start3A_44] : memref<5x80xi32, #tpu.memory_space<vmem>> -> memref<1x80xi32, #tpu.memory_space<vmem>>
      %dma_start3A_46 = tpu.memref_squeeze %dma_start3A_45 : memref<1x80xi32, #tpu.memory_space<vmem>> -> memref<80xi32, #tpu.memory_space<vmem>>
      %dma_start3A_47 = arith.constant 0 : i32
      %dma_start3A_48 = arith.constant 0 : i32
      %dma_start3A_49 = tpu.memref_slice %arg2[%dma_start3A_47, %dma_start3A_48] : memref<10000x144xf32, #tpu.memory_space<hbm>> -> memref<10000x144xf32, #tpu.memory_space<hbm>>
      tpu.enqueue_indirect_dma source(%dma_start3A_49 : memref<10000x144xf32, #tpu.memory_space<hbm>>) target(%arg14 : memref<80x144xf32, #tpu.memory_space<vmem>>) offsets(%dma_start3A_46 : memref<80xi32, #tpu.memory_space<vmem>>) semaphore(%arg19 : memref<!tpu.dma_semaphore, #tpu.memory_space<semaphore_mem>>)
      %dma_wait3A = arith.constant 0 : i32
      %dma_wait3A_50 = arith.constant 0 : i32
      %dma_wait3A_51 = tpu.memref_slice %arg7[%dma_wait3A, %dma_wait3A_50] : memref<5x80xi32, #tpu.memory_space<vmem>> -> memref<1x80xi32, #tpu.memory_space<vmem>>
      %dma_wait3A_52 = tpu.memref_squeeze %dma_wait3A_51 : memref<1x80xi32, #tpu.memory_space<vmem>> -> memref<80xi32, #tpu.memory_space<vmem>>
      %dma_wait3A_53 = arith.constant 0 : i32
      %dma_wait3A_54 = arith.constant 0 : i32
      %dma_wait3A_55 = tpu.memref_slice %arg2[%dma_wait3A_53, %dma_wait3A_54] : memref<10000x144xf32, #tpu.memory_space<hbm>> -> memref<10000x144xf32, #tpu.memory_space<hbm>>
      tpu.wait_indirect_dma semaphore(%arg15 : memref<!tpu.dma_semaphore, #tpu.memory_space<semaphore_mem>>) src(%dma_wait3A_55 : memref<10000x144xf32, #tpu.memory_space<hbm>>) dst(%arg10 : memref<80x144xf32, #tpu.memory_space<vmem>>)
      %dma_start3A_56 = arith.constant 0 : i32
      %dma_start3A_57 = arith.constant 0 : i32
      %dma_start3A_58 = tpu.memref_slice %arg8[%rem3A_15, %dma_start3A_56, %dma_start3A_57] : memref<2x5x80xi32, #tpu.memory_space<vmem>> -> memref<1x1x80xi32, #tpu.memory_space<vmem>>
      %dma_start3A_59 = tpu.memref_squeeze %dma_start3A_58 : memref<1x1x80xi32, #tpu.memory_space<vmem>> -> memref<80xi32, #tpu.memory_space<vmem>>
      %dma_start3A_60 = arith.constant 0 : i32
      %dma_start3A_61 = arith.constant 0 : i32
      %dma_start3A_62 = tpu.memref_slice %arg9[%dma_start3A_60, %dma_start3A_61] : memref<2048x144xf32, #tpu.memory_space<vmem_shared>> -> memref<2048x144xf32, #tpu.memory_space<vmem_shared>>
      tpu.enqueue_indirect_dma source(%arg10 : memref<80x144xf32, #tpu.memory_space<vmem>>) target(%dma_start3A_62 : memref<2048x144xf32, #tpu.memory_space<vmem_shared>>) offsets(%dma_start3A_59 : memref<80xi32, #tpu.memory_space<vmem>>) semaphore(%arg20 : memref<!tpu.dma_semaphore, #tpu.memory_space<semaphore_mem>>) {add = true}
      %dma_wait3A_63 = arith.constant 1 : i32
      %dma_wait3A_64 = arith.constant 0 : i32
      %dma_wait3A_65 = tpu.memref_slice %arg7[%dma_wait3A_63, %dma_wait3A_64] : memref<5x80xi32, #tpu.memory_space<vmem>> -> memref<1x80xi32, #tpu.memory_space<vmem>>
      %dma_wait3A_66 = tpu.memref_squeeze %dma_wait3A_65 : memref<1x80xi32, #tpu.memory_space<vmem>> -> memref<80xi32, #tpu.memory_space<vmem>>
      %dma_wait3A_67 = arith.constant 0 : i32
      %dma_wait3A_68 = arith.constant 0 : i32
      %dma_wait3A_69 = tpu.memref_slice %arg2[%dma_wait3A_67, %dma_wait3A_68] : memref<10000x144xf32, #tpu.memory_space<hbm>> -> memref<10000x144xf32, #tpu.memory_space<hbm>>
      tpu.wait_indirect_dma semaphore(%arg16 : memref<!tpu.dma_semaphore, #tpu.memory_space<semaphore_mem>>) src(%dma_wait3A_69 : memref<10000x144xf32, #tpu.memory_space<hbm>>) dst(%arg11 : memref<80x144xf32, #tpu.memory_space<vmem>>)
      %dma_start3A_70 = arith.constant 1 : i32
      %dma_start3A_71 = arith.constant 0 : i32
      %dma_start3A_72 = tpu.memref_slice %arg8[%rem3A_15, %dma_start3A_70, %dma_start3A_71] : memref<2x5x80xi32, #tpu.memory_space<vmem>> -> memref<1x1x80xi32, #tpu.memory_space<vmem>>
      %dma_start3A_73 = tpu.memref_squeeze %dma_start3A_72 : memref<1x1x80xi32, #tpu.memory_space<vmem>> -> memref<80xi32, #tpu.memory_space<vmem>>
      %dma_start3A_74 = arith.constant 0 : i32
      %dma_start3A_75 = arith.constant 0 : i32
      %dma_start3A_76 = tpu.memref_slice %arg9[%dma_start3A_74, %dma_start3A_75] : memref<2048x144xf32, #tpu.memory_space<vmem_shared>> -> memref<2048x144xf32, #tpu.memory_space<vmem_shared>>
      tpu.enqueue_indirect_dma source(%arg11 : memref<80x144xf32, #tpu.memory_space<vmem>>) target(%dma_start3A_76 : memref<2048x144xf32, #tpu.memory_space<vmem_shared>>) offsets(%dma_start3A_73 : memref<80xi32, #tpu.memory_space<vmem>>) semaphore(%arg21 : memref<!tpu.dma_semaphore, #tpu.memory_space<semaphore_mem>>) {add = true}
      %dma_wait3A_77 = arith.constant 2 : i32
      %dma_wait3A_78 = arith.constant 0 : i32
      %dma_wait3A_79 = tpu.memref_slice %arg7[%dma_wait3A_77, %dma_wait3A_78] : memref<5x80xi32, #tpu.memory_space<vmem>> -> memref<1x80xi32, #tpu.memory_space<vmem>>
      %dma_wait3A_80 = tpu.memref_squeeze %dma_wait3A_79 : memref<1x80xi32, #tpu.memory_space<vmem>> -> memref<80xi32, #tpu.memory_space<vmem>>
      %dma_wait3A_81 = arith.constant 0 : i32
      %dma_wait3A_82 = arith.constant 0 : i32
      %dma_wait3A_83 = tpu.memref_slice %arg2[%dma_wait3A_81, %dma_wait3A_82] : memref<10000x144xf32, #tpu.memory_space<hbm>> -> memref<10000x144xf32, #tpu.memory_space<hbm>>
      tpu.wait_indirect_dma semaphore(%arg17 : memref<!tpu.dma_semaphore, #tpu.memory_space<semaphore_mem>>) src(%dma_wait3A_83 : memref<10000x144xf32, #tpu.memory_space<hbm>>) dst(%arg12 : memref<80x144xf32, #tpu.memory_space<vmem>>)
      %dma_start3A_84 = arith.constant 2 : i32
      %dma_start3A_85 = arith.constant 0 : i32
      %dma_start3A_86 = tpu.memref_slice %arg8[%rem3A_15, %dma_start3A_84, %dma_start3A_85] : memref<2x5x80xi32, #tpu.memory_space<vmem>> -> memref<1x1x80xi32, #tpu.memory_space<vmem>>
      %dma_start3A_87 = tpu.memref_squeeze %dma_start3A_86 : memref<1x1x80xi32, #tpu.memory_space<vmem>> -> memref<80xi32, #tpu.memory_space<vmem>>
      %dma_start3A_88 = arith.constant 0 : i32
      %dma_start3A_89 = arith.constant 0 : i32
      %dma_start3A_90 = tpu.memref_slice %arg9[%dma_start3A_88, %dma_start3A_89] : memref<2048x144xf32, #tpu.memory_space<vmem_shared>> -> memref<2048x144xf32, #tpu.memory_space<vmem_shared>>
      tpu.enqueue_indirect_dma source(%arg12 : memref<80x144xf32, #tpu.memory_space<vmem>>) target(%dma_start3A_90 : memref<2048x144xf32, #tpu.memory_space<vmem_shared>>) offsets(%dma_start3A_87 : memref<80xi32, #tpu.memory_space<vmem>>) semaphore(%arg22 : memref<!tpu.dma_semaphore, #tpu.memory_space<semaphore_mem>>) {add = true}
      %dma_wait3A_91 = arith.constant 3 : i32
      %dma_wait3A_92 = arith.constant 0 : i32
      %dma_wait3A_93 = tpu.memref_slice %arg7[%dma_wait3A_91, %dma_wait3A_92] : memref<5x80xi32, #tpu.memory_space<vmem>> -> memref<1x80xi32, #tpu.memory_space<vmem>>
      %dma_wait3A_94 = tpu.memref_squeeze %dma_wait3A_93 : memref<1x80xi32, #tpu.memory_space<vmem>> -> memref<80xi32, #tpu.memory_space<vmem>>
      %dma_wait3A_95 = arith.constant 0 : i32
      %dma_wait3A_96 = arith.constant 0 : i32
      %dma_wait3A_97 = tpu.memref_slice %arg2[%dma_wait3A_95, %dma_wait3A_96] : memref<10000x144xf32, #tpu.memory_space<hbm>> -> memref<10000x144xf32, #tpu.memory_space<hbm>>
      tpu.wait_indirect_dma semaphore(%arg18 : memref<!tpu.dma_semaphore, #tpu.memory_space<semaphore_mem>>) src(%dma_wait3A_97 : memref<10000x144xf32, #tpu.memory_space<hbm>>) dst(%arg13 : memref<80x144xf32, #tpu.memory_space<vmem>>)
      %dma_start3A_98 = arith.constant 3 : i32
      %dma_start3A_99 = arith.constant 0 : i32
      %dma_start3A_100 = tpu.memref_slice %arg8[%rem3A_15, %dma_start3A_98, %dma_start3A_99] : memref<2x5x80xi32, #tpu.memory_space<vmem>> -> memref<1x1x80xi32, #tpu.memory_space<vmem>>
      %dma_start3A_101 = tpu.memref_squeeze %dma_start3A_100 : memref<1x1x80xi32, #tpu.memory_space<vmem>> -> memref<80xi32, #tpu.memory_space<vmem>>
      %dma_start3A_102 = arith.constant 0 : i32
      %dma_start3A_103 = arith.constant 0 : i32
      %dma_start3A_104 = tpu.memref_slice %arg9[%dma_start3A_102, %dma_start3A_103] : memref<2048x144xf32, #tpu.memory_space<vmem_shared>> -> memref<2048x144xf32, #tpu.memory_space<vmem_shared>>
      tpu.enqueue_indirect_dma source(%arg13 : memref<80x144xf32, #tpu.memory_space<vmem>>) target(%dma_start3A_104 : memref<2048x144xf32, #tpu.memory_space<vmem_shared>>) offsets(%dma_start3A_101 : memref<80xi32, #tpu.memory_space<vmem>>) semaphore(%arg23 : memref<!tpu.dma_semaphore, #tpu.memory_space<semaphore_mem>>) {add = true}
      %dma_wait3A_105 = arith.constant 4 : i32
      %dma_wait3A_106 = arith.constant 0 : i32
      %dma_wait3A_107 = tpu.memref_slice %arg7[%dma_wait3A_105, %dma_wait3A_106] : memref<5x80xi32, #tpu.memory_space<vmem>> -> memref<1x80xi32, #tpu.memory_space<vmem>>
      %dma_wait3A_108 = tpu.memref_squeeze %dma_wait3A_107 : memref<1x80xi32, #tpu.memory_space<vmem>> -> memref<80xi32, #tpu.memory_space<vmem>>
      %dma_wait3A_109 = arith.constant 0 : i32
      %dma_wait3A_110 = arith.constant 0 : i32
      %dma_wait3A_111 = tpu.memref_slice %arg2[%dma_wait3A_109, %dma_wait3A_110] : memref<10000x144xf32, #tpu.memory_space<hbm>> -> memref<10000x144xf32, #tpu.memory_space<hbm>>
      tpu.wait_indirect_dma semaphore(%arg19 : memref<!tpu.dma_semaphore, #tpu.memory_space<semaphore_mem>>) src(%dma_wait3A_111 : memref<10000x144xf32, #tpu.memory_space<hbm>>) dst(%arg14 : memref<80x144xf32, #tpu.memory_space<vmem>>)
      %dma_start3A_112 = arith.constant 4 : i32
      %dma_start3A_113 = arith.constant 0 : i32
      %dma_start3A_114 = tpu.memref_slice %arg8[%rem3A_15, %dma_start3A_112, %dma_start3A_113] : memref<2x5x80xi32, #tpu.memory_space<vmem>> -> memref<1x1x80xi32, #tpu.memory_space<vmem>>
      %dma_start3A_115 = tpu.memref_squeeze %dma_start3A_114 : memref<1x1x80xi32, #tpu.memory_space<vmem>> -> memref<80xi32, #tpu.memory_space<vmem>>
      %dma_start3A_116 = arith.constant 0 : i32
      %dma_start3A_117 = arith.constant 0 : i32
      %dma_start3A_118 = tpu.memref_slice %arg9[%dma_start3A_116, %dma_start3A_117] : memref<2048x144xf32, #tpu.memory_space<vmem_shared>> -> memref<2048x144xf32, #tpu.memory_space<vmem_shared>>
      tpu.enqueue_indirect_dma source(%arg14 : memref<80x144xf32, #tpu.memory_space<vmem>>) target(%dma_start3A_118 : memref<2048x144xf32, #tpu.memory_space<vmem_shared>>) offsets(%dma_start3A_115 : memref<80xi32, #tpu.memory_space<vmem>>) semaphore(%arg24 : memref<!tpu.dma_semaphore, #tpu.memory_space<semaphore_mem>>) {add = true}
      %add3A_119 = arith.constant 1 : i32
      %add3A_120 = arith.addi %scan3A_14, %add3A_119 : i32
      %mul3A_121 = arith.constant 5 : i32
      %mul3A_122 = arith.muli %add3A_120, %mul3A_121 : i32
      %min3A = arith.constant 120 : i32
      %min3A_123 = arith.minsi %mul3A_122, %min3A : i32
      %add3A_124 = arith.addi %mul3A_4, %min3A_123 : i32
      "tpu.region"() ({
        %run_scoped3A_161 = tpu.sem_alloc : memref<!tpu.dma_semaphore, #tpu.memory_space<semaphore_mem>>
        %dma_start3A_162 = arith.constant 0 : i32
        %dma_start3A_163 = tpu.memref_slice %arg3[%add3A_124, %dma_start3A_162] : memref<4000x80xi32, #tpu.memory_space<hbm>> -> memref<5x80xi32, #tpu.memory_space<hbm>>
        %dma_start3A_164 = arith.constant 0 : i32
        %dma_start3A_165 = tpu.memref_slice %arg3[%add3A_124, %dma_start3A_164] : memref<4000x80xi32, #tpu.memory_space<hbm>> -> memref<5x80xi32, #tpu.memory_space<hbm>>
        tpu.enqueue_dma source(%dma_start3A_165 : memref<5x80xi32, #tpu.memory_space<hbm>>) target(%arg7 : memref<5x80xi32, #tpu.memory_space<vmem>>) target_semaphore(%run_scoped3A_161 : memref<!tpu.dma_semaphore, #tpu.memory_space<semaphore_mem>>)
        %dma_wait3A_166 = arith.constant 0 : i32
        %dma_wait3A_167 = tpu.memref_slice %arg3[%add3A_124, %dma_wait3A_166] : memref<4000x80xi32, #tpu.memory_space<hbm>> -> memref<5x80xi32, #tpu.memory_space<hbm>>
        %dma_wait3A_168 = arith.constant 0 : i32
        %dma_wait3A_169 = tpu.memref_slice %arg3[%add3A_124, %dma_wait3A_168] : memref<4000x80xi32, #tpu.memory_space<hbm>> -> memref<5x80xi32, #tpu.memory_space<hbm>>
        tpu.wait_dma2 semaphore(%run_scoped3A_161 : memref<!tpu.dma_semaphore, #tpu.memory_space<semaphore_mem>>) src(%dma_wait3A_169 : memref<5x80xi32, #tpu.memory_space<hbm>>) dst(%arg7 : memref<5x80xi32, #tpu.memory_space<vmem>>)
        tpu.yield
      }) : () -> ()
      %sub3A = arith.constant 1 : i32
      %sub3A_125 = arith.subi %sub3A, %rem3A_15 : i32
      "tpu.region"() ({
        %run_scoped3A_161 = tpu.sem_alloc : memref<!tpu.dma_semaphore, #tpu.memory_space<semaphore_mem>>
        %dma_start3A_162 = arith.constant 0 : i32
        %dma_start3A_163 = arith.constant 0 : i32
        %dma_start3A_164 = tpu.memref_slice %arg8[%sub3A_125, %dma_start3A_162, %dma_start3A_163] : memref<2x5x80xi32, #tpu.memory_space<vmem>> -> memref<1x5x80xi32, #tpu.memory_space<vmem>>
        %dma_start3A_165 = tpu.memref_squeeze %dma_start3A_164 : memref<1x5x80xi32, #tpu.memory_space<vmem>> -> memref<5x80xi32, #tpu.memory_space<vmem>>
        %dma_start3A_166 = arith.constant 0 : i32
        %dma_start3A_167 = tpu.memref_slice %arg4[%add3A_124, %dma_start3A_166] : memref<4000x80xi32, #tpu.memory_space<hbm>> -> memref<5x80xi32, #tpu.memory_space<hbm>>
        %dma_start3A_168 = arith.constant 0 : i32
        %dma_start3A_169 = arith.constant 0 : i32
        %dma_start3A_170 = tpu.memref_slice %arg8[%sub3A_125, %dma_start3A_168, %dma_start3A_169] : memref<2x5x80xi32, #tpu.memory_space<vmem>> -> memref<1x5x80xi32, #tpu.memory_space<vmem>>
        %dma_start3A_171 = tpu.memref_squeeze %dma_start3A_170 : memref<1x5x80xi32, #tpu.memory_space<vmem>> -> memref<5x80xi32, #tpu.memory_space<vmem>>
        %dma_start3A_172 = arith.constant 0 : i32
        %dma_start3A_173 = tpu.memref_slice %arg4[%add3A_124, %dma_start3A_172] : memref<4000x80xi32, #tpu.memory_space<hbm>> -> memref<5x80xi32, #tpu.memory_space<hbm>>
        tpu.enqueue_dma source(%dma_start3A_173 : memref<5x80xi32, #tpu.memory_space<hbm>>) target(%dma_start3A_171 : memref<5x80xi32, #tpu.memory_space<vmem>>) target_semaphore(%run_scoped3A_161 : memref<!tpu.dma_semaphore, #tpu.memory_space<semaphore_mem>>)
        %dma_wait3A_174 = arith.constant 0 : i32
        %dma_wait3A_175 = arith.constant 0 : i32
        %dma_wait3A_176 = tpu.memref_slice %arg8[%sub3A_125, %dma_wait3A_174, %dma_wait3A_175] : memref<2x5x80xi32, #tpu.memory_space<vmem>> -> memref<1x5x80xi32, #tpu.memory_space<vmem>>
        %dma_wait3A_177 = tpu.memref_squeeze %dma_wait3A_176 : memref<1x5x80xi32, #tpu.memory_space<vmem>> -> memref<5x80xi32, #tpu.memory_space<vmem>>
        %dma_wait3A_178 = arith.constant 0 : i32
        %dma_wait3A_179 = tpu.memref_slice %arg4[%add3A_124, %dma_wait3A_178] : memref<4000x80xi32, #tpu.memory_space<hbm>> -> memref<5x80xi32, #tpu.memory_space<hbm>>
        %dma_wait3A_180 = arith.constant 0 : i32
        %dma_wait3A_181 = arith.constant 0 : i32
        %dma_wait3A_182 = tpu.memref_slice %arg8[%sub3A_125, %dma_wait3A_180, %dma_wait3A_181] : memref<2x5x80xi32, #tpu.memory_space<vmem>> -> memref<1x5x80xi32, #tpu.memory_space<vmem>>
        %dma_wait3A_183 = tpu.memref_squeeze %dma_wait3A_182 : memref<1x5x80xi32, #tpu.memory_space<vmem>> -> memref<5x80xi32, #tpu.memory_space<vmem>>
        %dma_wait3A_184 = arith.constant 0 : i32
        %dma_wait3A_185 = tpu.memref_slice %arg4[%add3A_124, %dma_wait3A_184] : memref<4000x80xi32, #tpu.memory_space<hbm>> -> memref<5x80xi32, #tpu.memory_space<hbm>>
        tpu.wait_dma2 semaphore(%run_scoped3A_161 : memref<!tpu.dma_semaphore, #tpu.memory_space<semaphore_mem>>) src(%dma_wait3A_185 : memref<5x80xi32, #tpu.memory_space<hbm>>) dst(%dma_wait3A_183 : memref<5x80xi32, #tpu.memory_space<vmem>>)
        tpu.yield
      }) : () -> ()
      %dma_wait3A_126 = arith.constant 0 : i32
      %dma_wait3A_127 = arith.constant 0 : i32
      %dma_wait3A_128 = tpu.memref_slice %arg8[%rem3A_15, %dma_wait3A_126, %dma_wait3A_127] : memref<2x5x80xi32, #tpu.memory_space<vmem>> -> memref<1x1x80xi32, #tpu.memory_space<vmem>>
      %dma_wait3A_129 = tpu.memref_squeeze %dma_wait3A_128 : memref<1x1x80xi32, #tpu.memory_space<vmem>> -> memref<80xi32, #tpu.memory_space<vmem>>
      %dma_wait3A_130 = arith.constant 0 : i32
      %dma_wait3A_131 = arith.constant 0 : i32
      %dma_wait3A_132 = tpu.memref_slice %arg9[%dma_wait3A_130, %dma_wait3A_131] : memref<2048x144xf32, #tpu.memory_space<vmem_shared>> -> memref<2048x144xf32, #tpu.memory_space<vmem_shared>>
      tpu.wait_indirect_dma semaphore(%arg20 : memref<!tpu.dma_semaphore, #tpu.memory_space<semaphore_mem>>) src(%arg10 : memref<80x144xf32, #tpu.memory_space<vmem>>) dst(%dma_wait3A_132 : memref<2048x144xf32, #tpu.memory_space<vmem_shared>>)
      %dma_wait3A_133 = arith.constant 1 : i32
      %dma_wait3A_134 = arith.constant 0 : i32
      %dma_wait3A_135 = tpu.memref_slice %arg8[%rem3A_15, %dma_wait3A_133, %dma_wait3A_134] : memref<2x5x80xi32, #tpu.memory_space<vmem>> -> memref<1x1x80xi32, #tpu.memory_space<vmem>>
      %dma_wait3A_136 = tpu.memref_squeeze %dma_wait3A_135 : memref<1x1x80xi32, #tpu.memory_space<vmem>> -> memref<80xi32, #tpu.memory_space<vmem>>
      %dma_wait3A_137 = arith.constant 0 : i32
      %dma_wait3A_138 = arith.constant 0 : i32
      %dma_wait3A_139 = tpu.memref_slice %arg9[%dma_wait3A_137, %dma_wait3A_138] : memref<2048x144xf32, #tpu.memory_space<vmem_shared>> -> memref<2048x144xf32, #tpu.memory_space<vmem_shared>>
      tpu.wait_indirect_dma semaphore(%arg21 : memref<!tpu.dma_semaphore, #tpu.memory_space<semaphore_mem>>) src(%arg11 : memref<80x144xf32, #tpu.memory_space<vmem>>) dst(%dma_wait3A_139 : memref<2048x144xf32, #tpu.memory_space<vmem_shared>>)
      %dma_wait3A_140 = arith.constant 2 : i32
      %dma_wait3A_141 = arith.constant 0 : i32
      %dma_wait3A_142 = tpu.memref_slice %arg8[%rem3A_15, %dma_wait3A_140, %dma_wait3A_141] : memref<2x5x80xi32, #tpu.memory_space<vmem>> -> memref<1x1x80xi32, #tpu.memory_space<vmem>>
      %dma_wait3A_143 = tpu.memref_squeeze %dma_wait3A_142 : memref<1x1x80xi32, #tpu.memory_space<vmem>> -> memref<80xi32, #tpu.memory_space<vmem>>
      %dma_wait3A_144 = arith.constant 0 : i32
      %dma_wait3A_145 = arith.constant 0 : i32
      %dma_wait3A_146 = tpu.memref_slice %arg9[%dma_wait3A_144, %dma_wait3A_145] : memref<2048x144xf32, #tpu.memory_space<vmem_shared>> -> memref<2048x144xf32, #tpu.memory_space<vmem_shared>>
      tpu.wait_indirect_dma semaphore(%arg22 : memref<!tpu.dma_semaphore, #tpu.memory_space<semaphore_mem>>) src(%arg12 : memref<80x144xf32, #tpu.memory_space<vmem>>) dst(%dma_wait3A_146 : memref<2048x144xf32, #tpu.memory_space<vmem_shared>>)
      %dma_wait3A_147 = arith.constant 3 : i32
      %dma_wait3A_148 = arith.constant 0 : i32
      %dma_wait3A_149 = tpu.memref_slice %arg8[%rem3A_15, %dma_wait3A_147, %dma_wait3A_148] : memref<2x5x80xi32, #tpu.memory_space<vmem>> -> memref<1x1x80xi32, #tpu.memory_space<vmem>>
      %dma_wait3A_150 = tpu.memref_squeeze %dma_wait3A_149 : memref<1x1x80xi32, #tpu.memory_space<vmem>> -> memref<80xi32, #tpu.memory_space<vmem>>
      %dma_wait3A_151 = arith.constant 0 : i32
      %dma_wait3A_152 = arith.constant 0 : i32
      %dma_wait3A_153 = tpu.memref_slice %arg9[%dma_wait3A_151, %dma_wait3A_152] : memref<2048x144xf32, #tpu.memory_space<vmem_shared>> -> memref<2048x144xf32, #tpu.memory_space<vmem_shared>>
      tpu.wait_indirect_dma semaphore(%arg23 : memref<!tpu.dma_semaphore, #tpu.memory_space<semaphore_mem>>) src(%arg13 : memref<80x144xf32, #tpu.memory_space<vmem>>) dst(%dma_wait3A_153 : memref<2048x144xf32, #tpu.memory_space<vmem_shared>>)
      %dma_wait3A_154 = arith.constant 4 : i32
      %dma_wait3A_155 = arith.constant 0 : i32
      %dma_wait3A_156 = tpu.memref_slice %arg8[%rem3A_15, %dma_wait3A_154, %dma_wait3A_155] : memref<2x5x80xi32, #tpu.memory_space<vmem>> -> memref<1x1x80xi32, #tpu.memory_space<vmem>>
      %dma_wait3A_157 = tpu.memref_squeeze %dma_wait3A_156 : memref<1x1x80xi32, #tpu.memory_space<vmem>> -> memref<80xi32, #tpu.memory_space<vmem>>
      %dma_wait3A_158 = arith.constant 0 : i32
      %dma_wait3A_159 = arith.constant 0 : i32
      %dma_wait3A_160 = tpu.memref_slice %arg9[%dma_wait3A_158, %dma_wait3A_159] : memref<2048x144xf32, #tpu.memory_space<vmem_shared>> -> memref<2048x144xf32, #tpu.memory_space<vmem_shared>>
      tpu.wait_indirect_dma semaphore(%arg24 : memref<!tpu.dma_semaphore, #tpu.memory_space<semaphore_mem>>) src(%arg14 : memref<80x144xf32, #tpu.memory_space<vmem>>) dst(%dma_wait3A_160 : memref<2048x144xf32, #tpu.memory_space<vmem_shared>>)
    }
    %scan3A_9 = arith.constant 25 : i32
    %barrier3A_10 = arith.constant 0 : index
    tpu.barrier barrier_id(%barrier3A_10)
    %mul3A_11 = arith.constant 2048 : i32
    %mul3A_12 = arith.muli %arg0, %mul3A_11 : i32
    %add3A_13 = arith.addi %mul3A_12, %mul3A_0 : i32
    "tpu.region"() ({
      %run_scoped3A_14 = tpu.sem_alloc : memref<!tpu.dma_semaphore, #tpu.memory_space<semaphore_mem>>
      %dma_start3A = arith.constant 0 : i32
      %dma_start3A_15 = tpu.memref_slice %arg6[%add3A_13, %dma_start3A] : memref<4096x144xf32, #tpu.memory_space<hbm>> -> memref<128x144xf32, #tpu.memory_space<hbm>>
      %dma_start3A_16 = arith.constant 0 : i32
      %dma_start3A_17 = tpu.memref_slice %arg9[%mul3A_0, %dma_start3A_16] : memref<2048x144xf32, #tpu.memory_space<vmem_shared>> -> memref<128x144xf32, #tpu.memory_space<vmem_shared>>
      tpu.enqueue_dma source(%dma_start3A_17 : memref<128x144xf32, #tpu.memory_space<vmem_shared>>) target(%dma_start3A_15 : memref<128x144xf32, #tpu.memory_space<hbm>>) target_semaphore(%run_scoped3A_14 : memref<!tpu.dma_semaphore, #tpu.memory_space<semaphore_mem>>)
      %dma_wait3A = arith.constant 0 : i32
      %dma_wait3A_18 = tpu.memref_slice %arg6[%add3A_13, %dma_wait3A] : memref<4096x144xf32, #tpu.memory_space<hbm>> -> memref<128x144xf32, #tpu.memory_space<hbm>>
      %dma_wait3A_19 = arith.constant 0 : i32
      %dma_wait3A_20 = tpu.memref_slice %arg9[%mul3A_0, %dma_wait3A_19] : memref<2048x144xf32, #tpu.memory_space<vmem_shared>> -> memref<128x144xf32, #tpu.memory_space<vmem_shared>>
      tpu.wait_dma2 semaphore(%run_scoped3A_14 : memref<!tpu.dma_semaphore, #tpu.memory_space<semaphore_mem>>) src(%dma_wait3A_20 : memref<128x144xf32, #tpu.memory_space<vmem_shared>>) dst(%dma_wait3A_18 : memref<128x144xf32, #tpu.memory_space<hbm>>)
      tpu.yield
    }) : () -> ()
    return
  }
}

module attributes {stable_mosaic.version = 14 : i64} {
  func.func @_mm_body(%arg0: i32, %arg1: memref<1000x128xf32, #tpu.memory_space<vmem>>, %arg2: memref<128x144xf32, #tpu.memory_space<vmem>>, %arg3: memref<1000x144xf32, #tpu.memory_space<vmem>>) attributes {dimension_semantics = [#tpu.dimension_semantics<arbitrary>], iteration_bounds = array<i64: 10>, scalar_prefetch = 0 : i64, scratch_operands = 0 : i64, tpu.core_type = #tpu.core_type<tc>, window_params = [{transform_indices = @transform_0, window_bounds = array<i64: 1000, 128>}, {pipeline_mode = #tpu.pipeline_mode<synchronous>, transform_indices = @transform_1, window_bounds = array<i64: 128, 144>}, {transform_indices = @transform_2, window_bounds = array<i64: 1000, 144>}]} {
    %get3A = arith.constant 0 : index
    %get3A_0 = arith.constant 0 : index
    %get3A_1 = vector.load %arg1[%get3A, %get3A_0] : memref<1000x128xf32, #tpu.memory_space<vmem>>, vector<1000x128xf32>
    %get3A_2 = arith.constant 0 : index
    %get3A_3 = arith.constant 0 : index
    %get3A_4 = vector.load %arg2[%get3A_2, %get3A_3] : memref<128x144xf32, #tpu.memory_space<vmem>>, vector<128x144xf32>
    %dot_general3A = arith.constant dense<0.000000e+00> : vector<1000x144xf32>
    %dot_general3A_5 = tpu.matmul %get3A_1, %get3A_4, %dot_general3A {dimension_numbers = #tpu.dot_dimension_numbers<[1], [0], [0], [1], [0, 0, 1, 1], [], []>, transpose_lhs_hint = false} : vector<1000x128xf32>, vector<128x144xf32>, vector<1000x144xf32> -> vector<1000x144xf32>
    %iota3A = tpu.iota {dimensions = array<i32: 1>} : vector<1000x144xi32>
    %eq3A = arith.constant 128 : i32
    %eq3A_6 = vector.broadcast %eq3A : i32 to vector<1000x144xi32>
    %eq3A_7 = arith.cmpi eq, %iota3A, %eq3A_6 : vector<1000x144xi32>
    %jit3A = arith.constant 1.000000e+00 : f32
    %jit3A_8 = arith.constant 0.000000e+00 : f32
    %broadcast_in_dim3A = vector.broadcast %jit3A : f32 to vector<1000x144xf32>
    %broadcast_in_dim3A_9 = vector.broadcast %jit3A_8 : f32 to vector<1000x144xf32>
    %select_n3A = arith.select %eq3A_7, %broadcast_in_dim3A, %broadcast_in_dim3A_9 : vector<1000x144xi1>, vector<1000x144xf32>
    %add3A = arith.addf %dot_general3A_5, %select_n3A : vector<1000x144xf32>
    %swap3A = arith.constant 0 : index
    %swap3A_10 = arith.constant 0 : index
    %swap3A_11 = vector.load %arg3[%swap3A, %swap3A_10] : memref<1000x144xf32, #tpu.memory_space<vmem>>, vector<1000x144xf32>
    tpu.vector_store %arg3[%swap3A, %swap3A_10], %add3A {strides = array<i32>} : memref<1000x144xf32, #tpu.memory_space<vmem>>, vector<1000x144xf32>,
    return
  }
  func.func @transform_0(%arg0: i32) -> (i32, i32) {
    %c0_i32 = arith.constant 0 : i32
    %c0_i32_0 = arith.constant 0 : i32
    return %arg0, %c0_i32 : i32, i32
  }
  func.func @transform_1(%arg0: i32) -> (i32, i32) {
    %c0_i32 = arith.constant 0 : i32
    %c0_i32_0 = arith.constant 0 : i32
    %c0_i32_1 = arith.constant 0 : i32
    return %c0_i32, %c0_i32_0 : i32, i32
  }
  func.func @transform_2(%arg0: i32) -> (i32, i32) {
    %c0_i32 = arith.constant 0 : i32
    %c0_i32_0 = arith.constant 0 : i32
    return %arg0, %c0_i32 : i32, i32
  }
}

module attributes {stable_mosaic.version = 14 : i64} {
  func.func @_merge_body(%arg0: i32, %arg1: memref<2048x144xf32, #tpu.memory_space<vmem>>, %arg2: memref<2048x144xf32, #tpu.memory_space<vmem>>, %arg3: memref<2048x144xf32, #tpu.memory_space<vmem>>) attributes {dimension_semantics = [#tpu.dimension_semantics<arbitrary>], iteration_bounds = array<i64: 1>, scalar_prefetch = 0 : i64, scratch_operands = 0 : i64, tpu.core_type = #tpu.core_type<tc>, window_params = [{transform_indices = @transform_0, window_bounds = array<i64: 2048, 144>}, {transform_indices = @transform_1, window_bounds = array<i64: 2048, 144>}, {pipeline_mode = #tpu.pipeline_mode<synchronous>, transform_indices = @transform_2, window_bounds = array<i64: 2048, 144>}]} {
    %get3A = arith.constant 0 : index
    %get3A_0 = arith.constant 0 : index
    %get3A_1 = vector.load %arg1[%get3A, %get3A_0] : memref<2048x144xf32, #tpu.memory_space<vmem>>, vector<2048x144xf32>
    %get3A_2 = arith.constant 0 : index
    %get3A_3 = arith.constant 0 : index
    %get3A_4 = vector.load %arg2[%get3A_2, %get3A_3] : memref<2048x144xf32, #tpu.memory_space<vmem>>, vector<2048x144xf32>
    %add3A = arith.addf %get3A_1, %get3A_4 : vector<2048x144xf32>
    %slice3A = vector.extract_strided_slice %add3A {offsets = [0, 128], sizes = [2048, 1], strides = [1, 1]} : vector<2048x144xf32> to vector<2048x1xf32>
    %max3A = arith.constant 1.000000e+00 : f32
    %max3A_5 = vector.broadcast %max3A : f32 to vector<2048x1xf32>
    %max3A_6 = arith.maximumf %slice3A, %max3A_5 : vector<2048x1xf32>
    %div3A = vector.broadcast %max3A_6 : vector<2048x1xf32> to vector<2048x144xf32>
    %div3A_7 = arith.divf %add3A, %div3A : vector<2048x144xf32>
    %swap3A = arith.constant 0 : index
    %swap3A_8 = arith.constant 0 : index
    %swap3A_9 = vector.load %arg3[%swap3A, %swap3A_8] : memref<2048x144xf32, #tpu.memory_space<vmem>>, vector<2048x144xf32>
    tpu.vector_store %arg3[%swap3A, %swap3A_8], %div3A_7 {strides = array<i32>} : memref<2048x144xf32, #tpu.memory_space<vmem>>, vector<2048x144xf32>,
    return
  }
  func.func @transform_0(%arg0: i32) -> (i32, i32) {
    %c0_i32 = arith.constant 0 : i32
    %c0_i32_0 = arith.constant 0 : i32
    %c0_i32_1 = arith.constant 0 : i32
    return %c0_i32, %c0_i32_0 : i32, i32
  }
  func.func @transform_1(%arg0: i32) -> (i32, i32) {
    %c1_i32 = arith.constant 1 : i32
    %c0_i32 = arith.constant 0 : i32
    %c0_i32_0 = arith.constant 0 : i32
    return %c1_i32, %c0_i32 : i32, i32
  }
  func.func @transform_2(%arg0: i32) -> (i32, i32) {
    %c0_i32 = arith.constant 0 : i32
    %c0_i32_0 = arith.constant 0 : i32
    %c0_i32_1 = arith.constant 0 : i32
    return %c0_i32, %c0_i32_0 : i32, i32
  }
}

module attributes {stable_mosaic.version = 14 : i64} {
  func.func @_final_body(%arg0: i32, %arg1: memref<1024x144xf32, #tpu.memory_space<vmem>>, %arg2: memref<1024x144xf32, #tpu.memory_space<vmem>>, %arg3: memref<1x128xf32, #tpu.memory_space<vmem>>, %arg4: memref<1024x128xf32, #tpu.memory_space<vmem>>) attributes {dimension_semantics = [#tpu.dimension_semantics<arbitrary>], iteration_bounds = array<i64: 10>, scalar_prefetch = 0 : i64, scratch_operands = 0 : i64, tpu.core_type = #tpu.core_type<tc>, window_params = [{transform_indices = @transform_0, window_bounds = array<i64: 1024, 144>}, {transform_indices = @transform_1, window_bounds = array<i64: 1024, 144>}, {pipeline_mode = #tpu.pipeline_mode<synchronous>, transform_indices = @transform_2, window_bounds = array<i64: 1, 128>}, {transform_indices = @transform_3, window_bounds = array<i64: 1024, 128>}]} {
    %get3A = arith.constant 0 : index
    %get3A_0 = arith.constant 0 : index
    %get3A_1 = vector.load %arg1[%get3A, %get3A_0] : memref<1024x144xf32, #tpu.memory_space<vmem>>, vector<1024x144xf32>
    %get3A_2 = arith.constant 0 : index
    %get3A_3 = arith.constant 0 : index
    %get3A_4 = vector.load %arg2[%get3A_2, %get3A_3] : memref<1024x144xf32, #tpu.memory_space<vmem>>, vector<1024x144xf32>
    %add3A = arith.addf %get3A_1, %get3A_4 : vector<1024x144xf32>
    %slice3A = vector.extract_strided_slice %add3A {offsets = [0, 128], sizes = [1024, 1], strides = [1, 1]} : vector<1024x144xf32> to vector<1024x1xf32>
    %max3A = arith.constant 1.000000e+00 : f32
    %max3A_5 = vector.broadcast %max3A : f32 to vector<1024x1xf32>
    %max3A_6 = arith.maximumf %slice3A, %max3A_5 : vector<1024x1xf32>
    %slice3A_7 = vector.extract_strided_slice %add3A {offsets = [0, 0], sizes = [1024, 128], strides = [1, 1]} : vector<1024x144xf32> to vector<1024x128xf32>
    %div3A = vector.broadcast %max3A_6 : vector<1024x1xf32> to vector<1024x128xf32>
    %div3A_8 = arith.divf %slice3A_7, %div3A : vector<1024x128xf32>
    %get3A_9 = arith.constant 0 : index
    %get3A_10 = arith.constant 0 : index
    %get3A_11 = vector.load %arg3[%get3A_9, %get3A_10] : memref<1x128xf32, #tpu.memory_space<vmem>>, vector<1x128xf32>
    %add3A_12 = vector.broadcast %get3A_11 : vector<1x128xf32> to vector<1024x128xf32>
    %add3A_13 = arith.addf %div3A_8, %add3A_12 : vector<1024x128xf32>
    %swap3A = arith.constant 0 : index
    %swap3A_14 = arith.constant 0 : index
    %swap3A_15 = vector.load %arg4[%swap3A, %swap3A_14] : memref<1024x128xf32, #tpu.memory_space<vmem>>, vector<1024x128xf32>
    tpu.vector_store %arg4[%swap3A, %swap3A_14], %add3A_13 {strides = array<i32>} : memref<1024x128xf32, #tpu.memory_space<vmem>>, vector<1024x128xf32>,
    return
  }
  func.func @transform_0(%arg0: i32) -> (i32, i32) {
    %c0_i32 = arith.constant 0 : i32
    %c0_i32_0 = arith.constant 0 : i32
    return %arg0, %c0_i32 : i32, i32
  }
  func.func @transform_1(%arg0: i32) -> (i32, i32) {
    %add3A = arith.constant 10 : i32
    %add3A_0 = arith.addi %arg0, %add3A : i32
    %c0_i32 = arith.constant 0 : i32
    %c0_i32_1 = arith.constant 0 : i32
    return %add3A_0, %c0_i32 : i32, i32
  }
  func.func @transform_2(%arg0: i32) -> (i32, i32) {
    %c0_i32 = arith.constant 0 : i32
    %c0_i32_0 = arith.constant 0 : i32
    %c0_i32_1 = arith.constant 0 : i32
    return %c0_i32, %c0_i32_0 : i32, i32
  }
  func.func @transform_3(%arg0: i32) -> (i32, i32) {
    %c0_i32 = arith.constant 0 : i32
    %c0_i32_0 = arith.constant 0 : i32
    return %arg0, %c0_i32 : i32, i32
  }
}

</mosaic_0001>

<sc_bundles>
// kernel: kernel.10.cloned.1.call-start
scs
__scs_entry_jumppad:
0x0: {  	(pc) =	sbr.rel $0x88, $3  }
0x1: {  	(tag) =	ssettag $0x0;
	lr =	simm.s32 $0x1  }
0x2: {  	[smem:$0x3F9C] =	sst lr;
	_ =	strace $0xD0000000  }
0x3: {  	_ = 	snop  }
0x4: {  	_ = 	snop  }
0x5: {  	_ = 	snop  }
0x6: {  	_ = 	snop  }
0x7: {  	_ = 	snop  }
__scs_overlays_trampoline_lowered:
0x8: {  	[smem:$0x3FAB] =	sst s0  }
0x9: {  	[smem:$0x3FAC] =	sst s1  }
0xa: {  	[smem:$0x3FAD] =	sst s2  }
0xb: {  	[smem:$0x3FAE] =	sst s3  }
0xc: {  	[smem:$0x3FAF] =	sst s4  }
0xd: {  	[smem:$0x3FB0] =	sst s5  }
0xe: {  	[smem:$0x3FB1] =	sst s6  }
0xf: {  	[smem:$0x3FB2] =	sst s7  }
0x10: {  	[smem:$0x3FB3] =	sst s8  }
0x11: {  	[smem:$0x3FB4] =	sst s9;
	s0 =	simm.s32 @!p0 $0x0  }
0x12: {  	s1 =	sld [smem:$0x3F9A];
	s0 =	simm.s32 @p0 $0x1  }
0x13: {  	[smem:$0x3FB5] =	sst s0;
	s0 =	simm.s32 @!p1 $0x0  }
0x14: {  	s2 =	sld [smem:$0x3F99];
	s0 =	simm.s32 @p1 $0x1  }
0x15: {  	[smem:$0x3FB6] =	sst s0;
	s0 =	simm.s32 @!p2 $0x0  }
0x16: {  	s3 =	sld [smem:$0x3FDB];
	s0 =	simm.s32 @p2 $0x1  }
0x17: {  	s4 =	simm.s32 $0x1BF5;
	[smem:$0x3FB8] =	sst s0  }
0x18: {  	s0 =	sld [smem:$0x3F9B];
	_ =	swait.ge [sflag:s4], $0x0  }
0x19: {  	s7 =	sld [smem:$0x3F9C]  }
0x1a: {  	s8 =	sadd.s32 $0xFFFFE003, lr  }
0x1b: {  	s9 =	sadd.s32 $0xFFFFFEF7, lr;
	s5 =	simm.s32 $0xFFFFFFFF;
	p2 =	slt.u32 s8, $0xFFFFF086  }
0x1c: {  	p1 =	slt.u32 s9, $0xF7A;
	s5 =	simm.s32 @!p2 $0x0  }
0x1d: {  	s5 =	simm.s32 @p1 $0x1;
	p0 =	seq.s32 s7, s2  }
0x1e: {  	s7 =	smul.u32 @!p0 $0xF7A, s2;
	p2 =	seq.s32 @!p0 s5, $0x0  }
0x1f: {  	s9 =	smul.u32 $0xF7A, s1;
	s8 =	simm.s32 @!p0 $0x1BF5;
	p2 =	por !p2, p0  }
0x20: {  	[sflag:s8] =	ssyncset.s32 @!p0 $0xFFFFF086;
	s6 =	sadd.s32 @!p0 s3, s7;
	s7 =	simm.s32 @!p0 $0x108  }
0x21: {  	s3 =	sadd.s32 s3, s9;
	s6 =	sadd.s32 @!p0 $0x88, s6;
	s7 =	simm.s32 @p2 $0x1082  }
0x22: {  	[simem:s7], [sflag:s8] =	dma.local @!p0 [hbm:s6], $0xF7A  }
0x23: {  	s9 =	sor.u32 $0xD0000000, s2;
	s6 =	simm.s32 $0x108;
	_ =	swait.ge @!p0 [sflag:s8], $0x0  }
0x24: {  	s3 =	sadd.s32 $0x88, s3;
	s6 =	simm.s32 @!p1 $0x1082;
	[sflag:s4] =	ssyncset.s32 $0xFFFFF086  }
0x25: {  	[simem:s6], [sflag:s4] =	dma.local [hbm:s3], $0xF7A  }
0x26: {  	[smem:$0x3F9C] =	sst s1;
	(tag) =	ssettag s2;
	_ =	strace s9  }
0x27: {  	s1 =	sld [smem:$0x3FAC]  }
0x28: {  	s2 =	sld [smem:$0x3FAD]  }
0x29: {  	s4 =	sld [smem:$0x3FAF]  }
0x2a: {  	p0 =	seq.s32 s5, $0x0;
	s5 =	sld [smem:$0x3FB0]  }
0x2b: {  	s6 =	sld [smem:$0x3FB1]  }
0x2c: {  	s7 =	sld [smem:$0x3FB2]  }
0x2d: {  	s3 =	simm.s32 $0x108;
	s8 =	sld [smem:$0x3FB3]  }
0x2e: {  	s3 =	simm.s32 @!p0 $0x1082;
	s9 =	sld [smem:$0x3FB4]  }
0x2f: {  	lr =	sadd.s32 s0, s3;
	s0 =	sld [smem:$0x3FAB]  }
0x30: {  	s3 =	sld [smem:$0x3FAE]  }
0x31: {  	[smem:$0x3FB7] =	sst s10  }
0x32: {  	s10 =	sld [smem:$0x3FB5];
	_ =	sdelay $0x3  }
0x33: {  	p0 =	seq.s32 s10, $0x1;
	s10 =	sld [smem:$0x3FB7];
	_ =	sdelay $0x3  }
0x34: {  	[smem:$0x3FB7] =	sst s10  }
0x35: {  	s10 =	sld [smem:$0x3FB6];
	_ =	sdelay $0x3  }
0x36: {  	p1 =	seq.s32 s10, $0x1;
	s10 =	sld [smem:$0x3FB7];
	_ =	sdelay $0x3  }
0x37: {  	[smem:$0x3FB7] =	sst s10  }
0x38: {  	s10 =	sld [smem:$0x3FB8]  }
0x39: {  	_ = 	snop;
	(pc) =	sbr.ind lr, $3  }
0x3a: {  	_ = 	snop  }
0x3b: {  	_ = 	snop  }
0x3c: {  	p2 =	seq.s32 s10, $0x1;
	s10 =	sld [smem:$0x3FB7]  }
0x3d: {  	_ =	shalt  }
0x3e: {  	_ =	shalt  }
0x3f: {  	_ =	shalt  }
0x40: {  	_ =	shalt  }
0x41: {  	_ =	shalt  }
0x42: {  	_ =	shalt  }
0x43: {  	_ =	shalt  }
0x44: {  	_ =	shalt  }
0x45: {  	_ =	shalt  }
0x46: {  	_ =	shalt  }
0x47: {  	_ =	shalt  }
0x48: {  	_ =	shalt  }
0x49: {  	_ =	shalt  }
0x4a: {  	_ =	shalt  }
0x4b: {  	_ =	shalt  }
0x4c: {  	_ =	shalt  }
0x4d: {  	_ =	shalt  }
0x4e: {  	_ =	shalt  }
0x4f: {  	_ =	shalt  }
0x50: {  	_ =	shalt  }
0x51: {  	_ =	shalt  }
0x52: {  	_ =	shalt  }
0x53: {  	_ =	shalt  }
0x54: {  	_ =	shalt  }
0x55: {  	_ =	shalt  }
0x56: {  	_ =	shalt  }
0x57: {  	_ =	shalt  }
0x58: {  	_ =	shalt  }
0x59: {  	_ =	shalt  }
0x5a: {  	_ =	shalt  }
0x5b: {  	_ =	shalt  }
0x5c: {  	_ =	shalt  }
0x5d: {  	_ =	shalt  }
0x5e: {  	_ =	shalt  }
0x5f: {  	_ =	shalt  }
0x60: {  	_ =	shalt  }
0x61: {  	_ =	shalt  }
0x62: {  	_ =	shalt  }
0x63: {  	_ =	shalt  }
0x64: {  	_ =	shalt  }
0x65: {  	_ =	shalt  }
0x66: {  	_ =	shalt  }
0x67: {  	_ =	shalt  }
0x68: {  	_ =	shalt  }
0x69: {  	_ =	shalt  }
0x6a: {  	_ =	shalt  }
0x6b: {  	_ =	shalt  }
0x6c: {  	_ =	shalt  }
0x6d: {  	_ =	shalt  }
0x6e: {  	_ =	shalt  }
0x6f: {  	_ =	shalt  }
0x70: {  	_ =	shalt  }
0x71: {  	_ =	shalt  }
0x72: {  	_ =	shalt  }
0x73: {  	_ =	shalt  }
0x74: {  	_ =	shalt  }
0x75: {  	_ =	shalt  }
0x76: {  	_ =	shalt  }
0x77: {  	_ =	shalt  }
0x78: {  	_ =	shalt  }
0x79: {  	_ =	shalt  }
0x7a: {  	_ =	shalt  }
0x7b: {  	_ =	shalt  }
0x7c: {  	_ =	shalt  }
0x7d: {  	_ =	shalt  }
0x7e: {  	_ =	shalt  }
0x7f: {  	_ =	shalt  }
0x80: {  	_ =	shalt  }
0x81: {  	_ =	shalt  }
0x82: {  	_ =	shalt  }
0x83: {  	_ =	shalt  }
0x84: {  	_ =	shalt  }
0x85: {  	_ =	shalt  }
0x86: {  	_ =	shalt  }
0x87: {  	_ =	shalt  }
.Lfunc_end0:
.L_simem_size_0:
called_computation.1_lowered:
.L_overlay_start_0:
0x88: {  	s2 =	sld [smem:$0x3FD9]  }
0x89: {  	s3 =	sld [smem:$0x3FFE];
	_ =	sdelay $0x1  }
0x8a: {  	s1 =	srdreg.scid  }
0x8b: {  	s0 =	sand.u32 $0x1, s1  }
0x8c: {  	s17 =	sshll.u32 s0, $0xA;
	s2 =	sadd.s32 s3, s2  }
0x8d: {  	s2 =	sadd.s32 s2, s17  }
0x8e: {  	[smem:$0x3FC3] =	sst s2  }
0x8f: {  	_ = 	snop  }
0x90: {  	s2 =	sld [smem:$0x3FD0];
	(tm) =	ssettm $0x1  }
0x91: {  	s18 =	sld [smem:$0x3FFB];
	_ =	sdelay $0x3  }
0x92: {  	_ =	strace s18  }
0x93: {  	s3 =	sld [smem:$0x3FFC];
	_ =	sdelay $0x3  }
0x94: {  	_ =	strace s3  }
0x95: {  	s3 =	sld [smem:$0x3FFD];
	_ =	sdelay $0x3  }
0x96: {  	_ =	strace s3  }
0x97: {  	_ =	strace $0x8FFFFFFF  }
0x98: {  	s19 =	sld [smem:$0x3FDB];
	_ =	sdelay $0x1  }
0x99: {  	s4 =	simm.s32 $_scs_section_size  }
0x9a: {  	s5 =	simm.s32 $_size__tile_overlayer_lowered;
	s6 =	simm.s32 $_tile_overlayer_lowered  }
0x9b: {  	s22 =	simm.s32 $0x1BFF;
	s21 =	sshll.u32 s6, $0x1;
	s3 =	sadd.s32 s4, s19  }
0x9c: {  	s7 =	simm.s32 $0x0;
	s20 =	sshll.u32 s5, $0x1;
	s5 =	sadd.s32 s21, s3  }
0x9d: {  	[timem:s7], [sflag:s22] =	dma.local [hbm:s5], s20  }
0x9e: {  	_ =	swait.ge [sflag:s22], s20  }
0x9f: {  	s4 =	ssub.s32 $0x0, s20;
	[sflag:s22] =	ssyncset.done $0x0  }
0xa0: {  	[sflag:s22] =	ssyncadd.s32 s4;
	_ =	sdelay $0x1  }
0xa1: {  	s23 =	simm.s32 $0x1B8B  }
0xa2: {  	_ =	swait.ge [sflag:s23], $0x1  }
0xa3: {  	[sflag:s23] =	ssyncset.done $0x0  }
0xa4: {  	s25 =	simm.s32 $0x1B8E;
	s24 =	sld [smem:$0x3FFE];
	[sflag:s23] =	ssyncadd.s32 $0xFFFFFFFF  }
0xa5: {  	s26 =	simm.s32 $execute0_lowered;
	[smem:$0x3FD2] =	sst s25  }
0xa6: {  	s5 =	sshll.u32 s26, $0x1;
	_ =	strace $0x80000049;
	[dreg:$0x1] =	wrdreg $0xFFFFFFFF  }
0xa7: {  	s28 =	simm.s32 $_size_execute0_lowered;
	s3 =	sadd.s32 s3, s5;
	[dreg:$0x0] =	wrdreg $0x0  }
0xa8: {  	s5 =	sshll.u32 s28, $0x1;
	[dreg:$0x2] =	wrdreg s3  }
0xa9: {  	[dreg:$0x3] =	wrdreg s5  }
0xaa: {  	[dreg:$0x4] =	wrdreg $0xC0  }
0xab: {  	_ =	task [dreg:s7], $0x5FFFF  }
0xac: {  	[dreg:$0x1] =	wrdreg $0xFFFFFFFF  }
0xad: {  	[dreg:$0x0] =	wrdreg $0x60  }
0xae: {  	[dreg:$0x2] =	wrdreg s2  }
0xaf: {  	[dreg:$0x3] =	wrdreg s24  }
0xb0: {  	[dreg:$0x4] =	wrdreg $0x3480  }
0xb1: {  	[dreg:$0x5] =	wrdreg $0x9  }
0xb2: {  	_ =	task.clear_ibuf [dreg:s7], $0x6FFFF;
	_ =	strace $0x90000049  }
0xb3: {  	s29 =	simm.s32 $0x9;
	_ =	strace $0x8000004B  }
0xb4: {  	_ =	swait.ge [sflag:s29], $0x1  }
0xb5: {  	[sflag:s29] =	ssyncadd.s32 $0xFFFFFFFF  }
0xb6: {  	_ =	strace $0x9000004B  }
0xb7: {  	_ =	sfence  }
0xb8: {  	s30 =	sld [smem:$0x0];
	_ =	sdelay $0x2  }
0xb9: {  	s31 =	sshll.u32 s1, $0xD;
	s1 =	sshrl.u32 s1, $0x2  }
0xba: {  	s3 =	sand.u32 $0x4000, s31;
	s1 =	sadd.s32 s1, s30  }
0xbb: {  	s0 =	sor.u32 s3, s0;
	s1 =	sshll.u32 s1, $0x11  }
0xbc: {  	s0 =	sor.u32 s1, s0  }
0xbd: {  	s0 =	sadd.s32 $0x8F2B, s0  }
0xbe: {  	[sflag:s0] =	ssyncadd.remote.s32 $0x1  }
0xbf: {  	_ =	sfence.sel $0xFFFF  }
0xc0: {  	[dreg:$0x0] =	wrdreg $0xFFFFFFFF;
	(pc) =	sbr.abs _section_cstart, $3  }
0xc1: {  	[dreg:$0x1] =	wrdreg $0xFFFFFFFF  }
0xc2: {  	_ =	task.clear_ibuf [dreg:s7], $0x2FFFF;
	_ =	strace $0x9FFFFFFF  }
0xc3: {  	(tm) =	ssettm $0x7FFFFFFF  }
tec
execute0_lowered:
.L_overlay_start_1:
0x0: {  	(tag) =	ssettag $0x1  }
0x1: {  	s1 =	rddreg [dreg:$0x0]  }
0x2: {  	s0 =	rddreg [dreg:$0x1]  }
0x3: {  	s3 =	rddreg [dreg:$0x2]  }
0x4: {  	s4 =	simm.s32 $0x0;
	s12 =	stileid.u32;
	s5 =	srdreg.scid  }
0x5: {  	s14 =	simm.s32 $0xB;
	s23 =	simm.s32 $0x38;
	s16 =	simm.s32 $0x32  }
0x6: {  	s24 =	simm.s32 $0x70;
	s25 =	simm.s32 $0xA8;
	s26 =	simm.s32 $0xE0  }
0x7: {  	s28 =	simm.s32 $0x6;
	s29 =	simm.s32 $0x7;
	s30 =	simm.s32 $0x8  }
0x8: {  	s31 =	simm.s32 $0x9;
	[smem:$0x7FF] =	sst s4;
	s2 =	smul.u32 $0x16800, s12  }
0x9: {  	s7 =	sand.u32 $0x1, s5;
	s8 =	smul.u32 $0x2D00, s12;
	s5 =	sadd.s32 $0x65000, s0  }
0xa: {  	s6 =	sadd.s32 $0x5A000, s0;
	_ =	strace $0x8000004A;
	[dreg:$0x5] =	wrdreg s23  }
0xb: {  	s19 =	sshll.u32 s12, $0x6;
	s10 =	smul.u32 $0x2D000, s7;
	[dreg:$0x6] =	wrdreg s24  }
0xc: {  	s11 =	sshll.u32 s7, $0x4;
	s7 =	ssub.s32 $0x2, s7;
	[dreg:$0x7] =	wrdreg s25  }
0xd: {  	[dreg:$0x8] =	wrdreg s26;
	s23 =	simm.s32 $0x2;
	s24 =	simm.s32 $0x3  }
0xe: {  	s25 =	simm.s32 $0x4;
	s26 =	simm.s32 $0x5;
	s9 =	sshrl.u32 s2, $0x3  }
0xf: {  	s17 =	sor.u32 s12, s11;
	s18 =	sshrl.u32 s7, $0x1;
	s2 =	sadd.s32 s2, s3  }
0x10: {  	s9 =	sadd.s32 s9, s0;
	s8 =	sadd.s32 s8, s10;
	s11 =	smul.u32 $0xC8, s17  }
0x11: {  	s7 =	ssub.s32 s7, s18;
	s10 =	smul.u32 $0x578, s17;
	s9 =	sadd.s32 $0x2D000, s9  }
0x12: {  	s13 =	sshrl.u32 s2, $0x3;
	s17 =	simm.s32 $0x16B48;
	[dreg:$0x9] =	wrdreg s9  }
0x13: {  	s18 =	simm.s32 $0x18768;
	s22 =	smax.u32 s7, $0x1;
	[dreg:$0x4] =	wrdreg s11  }
0x14: {  	s2 =	simm.s32 $0x0;
	s20 =	sadd.s32 s5, s10;
	[dreg:$0xd] =	wrdreg s22  }
0x15: {  	s0 =	sadd.s32 s8, s0;
	s21 =	sadd.s32 s6, s10;
	[dreg:$0xa] =	wrdreg s20  }
0x16: {  	s8 =	sor.u32 $0x1C0B, s19;
	s0 =	sadd.s32 $0x70000, s0;
	[dreg:$0xb] =	wrdreg s21  }
0x17: {  	s19 =	simm.s32 $0x1A388;
	s22 =	simm.s32 $0x1;
	[dreg:$0xc] =	wrdreg s0  }
0x18: {  	s20 =	simm.s32 $0x1BFA8;
	s21 =	simm.s32 $0x1DBC8;
	s0 =	simm.s32 $0xA  }
.LBB2_1:
0x19: {  	s7 =	rddreg [dreg:$0x9]  }
0x1a: {  	[spmem:s13], [sflag:s8] =	dma.local [hbm:s7], $0x2D00  }
0x1b: {  	_ =	swait.ge [sflag:s14], $0x2D00  }
0x1c: {  	[sflag:s14] =	ssyncset.done $0x0  }
0x1d: {  	s12 =	rddreg [dreg:$0xa];
	[sflag:s14] =	ssyncadd.s32 $0xFFFFD300  }
0x1e: {  	[tilespmem:s4], [sflag:$0xB] =	stream.linear.gather [hbm4b:s12+s4], $0x118, $0x38;
	[tilespmem:$0x1F7E8] =	vst v63  }
0x1f: {  	_ =	swait.ge [sflag:s14], $0x118  }
0x20: {  	[sflag:s14] =	ssyncset.done $0x0  }
0x21: {  	s9 =	simm.s32 $0x118;
	s15 =	rddreg [dreg:$0xb];
	[sflag:s14] =	ssyncadd.s32 $0xFFFFFEE8  }
0x22: {  	[tilespmem:s9], [sflag:$0xB] =	stream.linear.gather [hbm4b:s15+s4], $0x118, $0x38;
	[tilespmem:$0x1F7E8] =	vst v63  }
0x23: {  	_ =	swait.ge [sflag:s14], $0x118  }
0x24: {  	[sflag:s14] =	ssyncset.done $0x0  }
0x25: {  	[sflag:s14] =	ssyncadd.s32 $0xFFFFFEE8  }
0x26: {  	[bflag:$0x0] =	sbarrier.arrive $0xFFFF  }
0x27: {  	[tilespmem:s17], [sflag:$0x1] =	stream.indirect.gather [hbm4b:s1+s16], $0x90, s4, s16, $0xb8;
	[tilespmem:$0x1F7E8] =	vst v63  }
0x28: {  	s10 =	rddreg [dreg:$0x5]  }
0x29: {  	[tilespmem:s18], [sflag:$0x2] =	stream.indirect.gather [hbm4b:s1+s16], $0x90, s10, s16, $0xb8;
	[tilespmem:$0x1F7E8] =	vst v63  }
0x2a: {  	s11 =	rddreg [dreg:$0x6]  }
0x2b: {  	[tilespmem:s19], [sflag:$0x3] =	stream.indirect.gather [hbm4b:s1+s16], $0x90, s11, s16, $0xb8;
	[tilespmem:$0x1F7E8] =	vst v63  }
0x2c: {  	s7 =	sand.u32 $0x1, s4;
	s12 =	rddreg [dreg:$0x7]  }
0x2d: {  	[tilespmem:s20], [sflag:$0x4] =	stream.indirect.gather [hbm4b:s1+s16], $0x90, s12, s16, $0xb8;
	[tilespmem:$0x1F7E8] =	vst v63  }
0x2e: {  	s15 =	rddreg [dreg:$0x8];
	s10 =	smul.u32 $0x460, s7  }
0x2f: {  	[tilespmem:s21], [sflag:$0x5] =	stream.indirect.gather [hbm4b:s1+s16], $0x90, s15, s16, $0xb8;
	[tilespmem:$0x1F7E8] =	vst v63  }
0x30: {  	_ =	swait.ge [sflag:s22], $0x1C20  }
0x31: {  	s9 =	sshrl.u32 s10, $0x2;
	[sflag:s22] =	ssyncset.done $0x0  }
0x32: {  	s15 =	sadd.s32 $0x118, s9;
	[sflag:s22] =	ssyncadd.s32 $0xFFFFE3E0  }
0x33: {  	[spmem:s3] =	stream.indirect.scatter.add.f32 [tilespmem:s17], [sflag:$0x6], $0x90, s15, s16, $0xb8;
	[tilespmem:$0x1F7E8] =	vst v63  }
0x34: {  	_ =	swait.ge [sflag:s23], $0x1C20  }
0x35: {  	[sflag:s23] =	ssyncset.done $0x0  }
0x36: {  	s11 =	sadd.s32 $0x150, s9;
	[sflag:s23] =	ssyncadd.s32 $0xFFFFE3E0  }
0x37: {  	[spmem:s3] =	stream.indirect.scatter.add.f32 [tilespmem:s18], [sflag:$0x7], $0x90, s11, s16, $0xb8;
	[tilespmem:$0x1F7E8] =	vst v63  }
0x38: {  	_ =	swait.ge [sflag:s24], $0x1C20  }
0x39: {  	[sflag:s24] =	ssyncset.done $0x0  }
0x3a: {  	s12 =	sadd.s32 $0x188, s9;
	[sflag:s24] =	ssyncadd.s32 $0xFFFFE3E0  }
0x3b: {  	[spmem:s3] =	stream.indirect.scatter.add.f32 [tilespmem:s19], [sflag:$0x8], $0x90, s12, s16, $0xb8;
	[tilespmem:$0x1F7E8] =	vst v63  }
0x3c: {  	_ =	swait.ge [sflag:s25], $0x1C20  }
0x3d: {  	[sflag:s25] =	ssyncset.done $0x0  }
0x3e: {  	s10 =	sadd.s32 $0x1C0, s9;
	[sflag:s25] =	ssyncadd.s32 $0xFFFFE3E0  }
0x3f: {  	[spmem:s3] =	stream.indirect.scatter.add.f32 [tilespmem:s20], [sflag:$0x9], $0x90, s10, s16, $0xb8;
	[tilespmem:$0x1F7E8] =	vst v63  }
0x40: {  	_ =	swait.ge [sflag:s26], $0x1C20  }
0x41: {  	s10 =	smin.u32 s26, $0xC3;
	s11 =	rddreg [dreg:$0x4]  }
0x42: {  	s7 =	sxor.u32 $0x1, s7;
	[sflag:s26] =	ssyncset.done $0x0;
	s10 =	sadd.s32 s11, s10  }
0x43: {  	s9 =	sadd.s32 $0x1F8, s9;
	[sflag:s26] =	ssyncadd.s32 $0xFFFFE3E0;
	s10 =	smul.u32 $0x7, s10  }
0x44: {  	[spmem:s3] =	stream.indirect.scatter.add.f32 [tilespmem:s21], [sflag:$0xA], $0x90, s9, s16, $0xb8;
	[tilespmem:$0x1F7E8] =	vst v63  }
0x45: {  	s7 =	smul.u32 $0x460, s7;
	s12 =	sadd.s32 s5, s10  }
0x46: {  	[tilespmem:s4], [sflag:$0xB] =	stream.linear.gather [hbm4b:s12+s4], $0x118, $0x38;
	[tilespmem:$0x1F7E8] =	vst v63  }
0x47: {  	_ =	swait.ge [sflag:s14], $0x118  }
0x48: {  	s7 =	sshrl.u32 s7, $0x2;
	[sflag:s14] =	ssyncset.done $0x0  }
0x49: {  	s7 =	sadd.s32 $0x118, s7;
	s15 =	sadd.s32 s6, s10;
	[sflag:s14] =	ssyncadd.s32 $0xFFFFFEE8  }
0x4a: {  	[tilespmem:s7], [sflag:$0xB] =	stream.linear.gather [hbm4b:s15+s4], $0x118, $0x38;
	[tilespmem:$0x1F7E8] =	vst v63  }
0x4b: {  	_ =	swait.ge [sflag:s14], $0x118  }
0x4c: {  	[sflag:s14] =	ssyncset.done $0x0  }
0x4d: {  	[sflag:s14] =	ssyncadd.s32 $0xFFFFFEE8  }
0x4e: {  	_ =	swait.ge [sflag:s28], $0x1C20  }
0x4f: {  	[sflag:s28] =	ssyncset.done $0x0  }
0x50: {  	[sflag:s28] =	ssyncadd.s32 $0xFFFFE3E0  }
0x51: {  	_ =	swait.ge [sflag:s29], $0x1C20  }
0x52: {  	[sflag:s29] =	ssyncset.done $0x0  }
0x53: {  	[sflag:s29] =	ssyncadd.s32 $0xFFFFE3E0  }
0x54: {  	_ =	swait.ge [sflag:s30], $0x1C20  }
0x55: {  	[sflag:s30] =	ssyncset.done $0x0  }
0x56: {  	[sflag:s30] =	ssyncadd.s32 $0xFFFFE3E0  }
0x57: {  	_ =	swait.ge [sflag:s31], $0x1C20  }
0x58: {  	[sflag:s31] =	ssyncset.done $0x0  }
0x59: {  	[sflag:s31] =	ssyncadd.s32 $0xFFFFE3E0  }
0x5a: {  	s15 =	simm.s32 $0xA;
	s7 =	simm.s32 $0x0;
	_ =	swait.ge [sflag:s0], $0x1C20  }
.LBB2_2:
0x5b: {  	[sflag:s0] =	ssyncset.done $0x0  }
0x5c: {  	[sflag:s0] =	ssyncadd.s32 $0xFFFFE3E0  }
0x5d: {  	[tilespmem:s17], [sflag:$0x1] =	stream.indirect.gather [hbm4b:s1+s16], $0x90, s4, s16, $0xb8;
	[tilespmem:$0x1F7E8] =	vst v63  }
0x5e: {  	s10 =	rddreg [dreg:$0x5]  }
0x5f: {  	[tilespmem:s18], [sflag:$0x2] =	stream.indirect.gather [hbm4b:s1+s16], $0x90, s10, s16, $0xb8;
	[tilespmem:$0x1F7E8] =	vst v63  }
0x60: {  	s11 =	rddreg [dreg:$0x6]  }
0x61: {  	[tilespmem:s19], [sflag:$0x3] =	stream.indirect.gather [hbm4b:s1+s16], $0x90, s11, s16, $0xb8;
	[tilespmem:$0x1F7E8] =	vst v63  }
0x62: {  	s7 =	sadd.s32 $0x1, s7;
	s10 =	rddreg [dreg:$0x7]  }
0x63: {  	[tilespmem:s20], [sflag:$0x4] =	stream.indirect.gather [hbm4b:s1+s16], $0x90, s10, s16, $0xb8;
	[tilespmem:$0x1F7E8] =	vst v63  }
0x64: {  	s12 =	rddreg [dreg:$0x8];
	s10 =	sand.u32 $0x1, s7  }
0x65: {  	[tilespmem:s21], [sflag:$0x5] =	stream.indirect.gather [hbm4b:s1+s16], $0x90, s12, s16, $0xb8;
	[tilespmem:$0x1F7E8] =	vst v63  }
0x66: {  	s12 =	smul.u32 $0x460, s10  }
0x67: {  	_ =	swait.ge [sflag:s22], $0x1C20  }
0x68: {  	[sflag:s22] =	ssyncset.done $0x0;
	s11 =	sshrl.u32 s12, $0x2  }
0x69: {  	[sflag:s22] =	ssyncadd.s32 $0xFFFFE3E0;
	s12 =	sadd.s32 $0x118, s11  }
0x6a: {  	[spmem:s3] =	stream.indirect.scatter.add.f32 [tilespmem:s17], [sflag:$0x6], $0x90, s12, s16, $0xb8;
	[tilespmem:$0x1F7E8] =	vst v63  }
0x6b: {  	_ =	swait.ge [sflag:s23], $0x1C20  }
0x6c: {  	[sflag:s23] =	ssyncset.done $0x0  }
0x6d: {  	s12 =	sadd.s32 $0x150, s11;
	[sflag:s23] =	ssyncadd.s32 $0xFFFFE3E0  }
0x6e: {  	[spmem:s3] =	stream.indirect.scatter.add.f32 [tilespmem:s18], [sflag:$0x7], $0x90, s12, s16, $0xb8;
	[tilespmem:$0x1F7E8] =	vst v63  }
0x6f: {  	_ =	swait.ge [sflag:s24], $0x1C20  }
0x70: {  	[sflag:s24] =	ssyncset.done $0x0  }
0x71: {  	s12 =	sadd.s32 $0x188, s11;
	[sflag:s24] =	ssyncadd.s32 $0xFFFFE3E0  }
0x72: {  	[spmem:s3] =	stream.indirect.scatter.add.f32 [tilespmem:s19], [sflag:$0x8], $0x90, s12, s16, $0xb8;
	[tilespmem:$0x1F7E8] =	vst v63  }
0x73: {  	_ =	swait.ge [sflag:s25], $0x1C20  }
0x74: {  	[sflag:s25] =	ssyncset.done $0x0  }
0x75: {  	s12 =	sadd.s32 $0x1C0, s11;
	[sflag:s25] =	ssyncadd.s32 $0xFFFFE3E0  }
0x76: {  	[spmem:s3] =	stream.indirect.scatter.add.f32 [tilespmem:s20], [sflag:$0x9], $0x90, s12, s16, $0xb8;
	[tilespmem:$0x1F7E8] =	vst v63  }
0x77: {  	s9 =	smov.u32 s15;
	_ =	swait.ge [sflag:s26], $0x1C20  }
0x78: {  	s9 =	smin.u32 s9, $0xC3;
	s12 =	rddreg [dreg:$0x4]  }
0x79: {  	s10 =	sxor.u32 $0x1, s10;
	[sflag:s26] =	ssyncset.done $0x0;
	s9 =	sadd.s32 s12, s9  }
0x7a: {  	s11 =	sadd.s32 $0x1F8, s11;
	[sflag:s26] =	ssyncadd.s32 $0xFFFFE3E0;
	s9 =	smul.u32 $0x7, s9  }
0x7b: {  	[spmem:s3] =	stream.indirect.scatter.add.f32 [tilespmem:s21], [sflag:$0xA], $0x90, s11, s16, $0xb8;
	[tilespmem:$0x1F7E8] =	vst v63  }
0x7c: {  	s10 =	smul.u32 $0x460, s10;
	s12 =	sadd.s32 s5, s9  }
0x7d: {  	[tilespmem:s4], [sflag:$0xB] =	stream.linear.gather [hbm4b:s12+s4], $0x118, $0x38;
	[tilespmem:$0x1F7E8] =	vst v63  }
0x7e: {  	_ =	swait.ge [sflag:s14], $0x118  }
0x7f: {  	s10 =	sshrl.u32 s10, $0x2;
	[sflag:s14] =	ssyncset.done $0x0  }
0x80: {  	s10 =	sadd.s32 $0x118, s10;
	s9 =	sadd.s32 s6, s9;
	[sflag:s14] =	ssyncadd.s32 $0xFFFFFEE8  }
0x81: {  	[tilespmem:s10], [sflag:$0xB] =	stream.linear.gather [hbm4b:s9+s4], $0x118, $0x38;
	[tilespmem:$0x1F7E8] =	vst v63  }
0x82: {  	_ =	swait.ge [sflag:s14], $0x118  }
0x83: {  	[sflag:s14] =	ssyncset.done $0x0  }
0x84: {  	[sflag:s14] =	ssyncadd.s32 $0xFFFFFEE8  }
0x85: {  	_ =	swait.ge [sflag:s28], $0x1C20  }
0x86: {  	[sflag:s28] =	ssyncset.done $0x0  }
0x87: {  	[sflag:s28] =	ssyncadd.s32 $0xFFFFE3E0  }
0x88: {  	_ =	swait.ge [sflag:s29], $0x1C20  }
0x89: {  	[sflag:s29] =	ssyncset.done $0x0  }
0x8a: {  	[sflag:s29] =	ssyncadd.s32 $0xFFFFE3E0  }
0x8b: {  	_ =	swait.ge [sflag:s30], $0x1C20  }
0x8c: {  	p0 =	sne.s32 s15, $0xC8;
	[sflag:s30] =	ssyncset.done $0x0  }
.Ltmp0:
0x8d: {  	[sflag:s30] =	ssyncadd.s32 $0xFFFFE3E0;
	(pc) =	sbr.rel @p0 .LBB2_2-.Ltmp0, $4  }
0x8e: {  	_ =	swait.ge [sflag:s31], $0x1C20  }
0x8f: {  	[sflag:s31] =	ssyncset.done $0x0  }
0x90: {  	[sflag:s31] =	ssyncadd.s32 $0xFFFFE3E0  }
0x91: {  	s15 =	sadd.s32 $0x5, s15;
	_ =	swait.ge [sflag:s0], $0x1C20  }
0x92: {  	[sflag:s0] =	ssyncset.done $0x0  }
0x93: {  	[sflag:s0] =	ssyncadd.s32 $0xFFFFE3E0  }
0x94: {  	[bflag:$0x0] =	sbarrier.arrive $0xFFFF  }
0x95: {  	s7 =	rddreg [dreg:$0xc]  }
0x96: {  	[hbm:s7], [sflag:s8] =	dma.local [spmem:s13], $0x2D00  }
0x97: {  	_ =	swait.ge [sflag:s14], $0x2D00  }
0x98: {  	s2 =	sadd.s32 $0x1, s2;
	s15 =	rddreg [dreg:$0xd]  }
0x99: {  	p0 =	sne.s32 s2, s15  }
.Ltmp1:
0x9a: {  	_ = 	snop;
	(pc) =	sbr.rel @p0 .LBB2_1-.Ltmp1, $3  }
0x9b: {  	_ =	sdelay $0x1  }
0x9c: {  	[sflag:s14] =	ssyncset.done $0x0  }
0x9d: {  	[sflag:s14] =	ssyncadd.s32 $0xFFFFD300  }
0x9e: {  	_ =	sfence.sel $0x180000  }
0x9f: {  	[bflag:$0x0] =	sbarrier.arrive $0xFFFF  }
0xa0: {  	_ =	strace $0x9000004A  }
0xa1: {  	s0 =	stileid.u32;
	[bflag:$0x2] =	sbarrier.arrive $0xFFFF  }
0xa2: {  	p0 =	sne.s32 s0, $0x0;
	s0 =	rddreg [dreg:$0x3]  }
0xa3: {  	s0 =	sadd.s32 @!p0 $0x100000, s0  }
0xa4: {  	[sflag:s0] =	ssyncadd.tile.s32 @!p0 $0x1;
	_ =	shalt  }
.Lfunc_end2:
_tile_overlayer_lowered:
.L_overlay_start_2:
0xa5: {  	(tag) =	ssettag $0x2  }
0xa6: {  	s0 =	rddreg [dreg:$0x0];
	s2 =	stileid.u32  }
0xa7: {  	s1 =	rddreg [dreg:$0x1];
	p0 =	sne.s32 s2, $0x0  }
0xa8: {  	s3 =	rddreg [dreg:$0x2];
	[bflag:$0x3] =	sbarrier.arrive $0xFFFF;
	s2 =	simm.s32 @!p0 $0x1C0B  }
0xa9: {  	[timem:s3], [sflag:s2] =	dma.local @!p0 [hbm:s0], s1  }
0xaa: {  	s0 =	simm.s32 @!p0 $0xB  }
0xab: {  	_ =	swait.ge @!p0 [sflag:s0], s1  }
0xac: {  	s1 =	ssub.s32 @!p0 $0x0, s1;
	[sflag:s0] =	ssyncset.done @!p0 $0x0  }
0xad: {  	[sflag:s0] =	ssyncadd.s32 @!p0 s1  }
0xae: {  	[bflag:$0x3] =	sbarrier.arrive $0xFFFF  }
0xaf: {  	_ =	shalt  }

// kernel: kernel.7.cloned.1.call-start
scs
__scs_entry_jumppad:
0x0: {  	(pc) =	sbr.rel $0x88, $3  }
0x1: {  	(tag) =	ssettag $0x0;
	lr =	simm.s32 $0x1  }
0x2: {  	[smem:$0x3F9C] =	sst lr;
	_ =	strace $0xD0000000  }
0x3: {  	_ = 	snop  }
0x4: {  	_ = 	snop  }
0x5: {  	_ = 	snop  }
0x6: {  	_ = 	snop  }
0x7: {  	_ = 	snop  }
__scs_overlays_trampoline_lowered:
0x8: {  	[smem:$0x3FAB] =	sst s0  }
0x9: {  	[smem:$0x3FAC] =	sst s1  }
0xa: {  	[smem:$0x3FAD] =	sst s2  }
0xb: {  	[smem:$0x3FAE] =	sst s3  }
0xc: {  	[smem:$0x3FAF] =	sst s4  }
0xd: {  	[smem:$0x3FB0] =	sst s5  }
0xe: {  	[smem:$0x3FB1] =	sst s6  }
0xf: {  	[smem:$0x3FB2] =	sst s7  }
0x10: {  	[smem:$0x3FB3] =	sst s8  }
0x11: {  	[smem:$0x3FB4] =	sst s9;
	s0 =	simm.s32 @!p0 $0x0  }
0x12: {  	s1 =	sld [smem:$0x3F9A];
	s0 =	simm.s32 @p0 $0x1  }
0x13: {  	[smem:$0x3FB5] =	sst s0;
	s0 =	simm.s32 @!p1 $0x0  }
0x14: {  	s2 =	sld [smem:$0x3F99];
	s0 =	simm.s32 @p1 $0x1  }
0x15: {  	[smem:$0x3FB6] =	sst s0;
	s0 =	simm.s32 @!p2 $0x0  }
0x16: {  	s3 =	sld [smem:$0x3FDB];
	s0 =	simm.s32 @p2 $0x1  }
0x17: {  	s4 =	simm.s32 $0x1BF5;
	[smem:$0x3FB8] =	sst s0  }
0x18: {  	s0 =	sld [smem:$0x3F9B];
	_ =	swait.ge [sflag:s4], $0x0  }
0x19: {  	s7 =	sld [smem:$0x3F9C]  }
0x1a: {  	s8 =	sadd.s32 $0xFFFFE003, lr  }
0x1b: {  	s9 =	sadd.s32 $0xFFFFFEF7, lr;
	s5 =	simm.s32 $0xFFFFFFFF;
	p2 =	slt.u32 s8, $0xFFFFF086  }
0x1c: {  	p1 =	slt.u32 s9, $0xF7A;
	s5 =	simm.s32 @!p2 $0x0  }
0x1d: {  	s5 =	simm.s32 @p1 $0x1;
	p0 =	seq.s32 s7, s2  }
0x1e: {  	s7 =	smul.u32 @!p0 $0xF7A, s2;
	p2 =	seq.s32 @!p0 s5, $0x0  }
0x1f: {  	s9 =	smul.u32 $0xF7A, s1;
	s8 =	simm.s32 @!p0 $0x1BF5;
	p2 =	por !p2, p0  }
0x20: {  	[sflag:s8] =	ssyncset.s32 @!p0 $0xFFFFF086;
	s6 =	sadd.s32 @!p0 s3, s7;
	s7 =	simm.s32 @!p0 $0x108  }
0x21: {  	s3 =	sadd.s32 s3, s9;
	s6 =	sadd.s32 @!p0 $0x88, s6;
	s7 =	simm.s32 @p2 $0x1082  }
0x22: {  	[simem:s7], [sflag:s8] =	dma.local @!p0 [hbm:s6], $0xF7A  }
0x23: {  	s9 =	sor.u32 $0xD0000000, s2;
	s6 =	simm.s32 $0x108;
	_ =	swait.ge @!p0 [sflag:s8], $0x0  }
0x24: {  	s3 =	sadd.s32 $0x88, s3;
	s6 =	simm.s32 @!p1 $0x1082;
	[sflag:s4] =	ssyncset.s32 $0xFFFFF086  }
0x25: {  	[simem:s6], [sflag:s4] =	dma.local [hbm:s3], $0xF7A  }
0x26: {  	[smem:$0x3F9C] =	sst s1;
	(tag) =	ssettag s2;
	_ =	strace s9  }
0x27: {  	s1 =	sld [smem:$0x3FAC]  }
0x28: {  	s2 =	sld [smem:$0x3FAD]  }
0x29: {  	s4 =	sld [smem:$0x3FAF]  }
0x2a: {  	p0 =	seq.s32 s5, $0x0;
	s5 =	sld [smem:$0x3FB0]  }
0x2b: {  	s6 =	sld [smem:$0x3FB1]  }
0x2c: {  	s7 =	sld [smem:$0x3FB2]  }
0x2d: {  	s3 =	simm.s32 $0x108;
	s8 =	sld [smem:$0x3FB3]  }
0x2e: {  	s3 =	simm.s32 @!p0 $0x1082;
	s9 =	sld [smem:$0x3FB4]  }
0x2f: {  	lr =	sadd.s32 s0, s3;
	s0 =	sld [smem:$0x3FAB]  }
0x30: {  	s3 =	sld [smem:$0x3FAE]  }
0x31: {  	[smem:$0x3FB7] =	sst s10  }
0x32: {  	s10 =	sld [smem:$0x3FB5];
	_ =	sdelay $0x3  }
0x33: {  	p0 =	seq.s32 s10, $0x1;
	s10 =	sld [smem:$0x3FB7];
	_ =	sdelay $0x3  }
0x34: {  	[smem:$0x3FB7] =	sst s10  }
0x35: {  	s10 =	sld [smem:$0x3FB6];
	_ =	sdelay $0x3  }
0x36: {  	p1 =	seq.s32 s10, $0x1;
	s10 =	sld [smem:$0x3FB7];
	_ =	sdelay $0x3  }
0x37: {  	[smem:$0x3FB7] =	sst s10  }
0x38: {  	s10 =	sld [smem:$0x3FB8]  }
0x39: {  	_ = 	snop;
	(pc) =	sbr.ind lr, $3  }
0x3a: {  	_ = 	snop  }
0x3b: {  	_ = 	snop  }
0x3c: {  	p2 =	seq.s32 s10, $0x1;
	s10 =	sld [smem:$0x3FB7]  }
0x3d: {  	_ =	shalt  }
0x3e: {  	_ =	shalt  }
0x3f: {  	_ =	shalt  }
0x40: {  	_ =	shalt  }
0x41: {  	_ =	shalt  }
0x42: {  	_ =	shalt  }
0x43: {  	_ =	shalt  }
0x44: {  	_ =	shalt  }
0x45: {  	_ =	shalt  }
0x46: {  	_ =	shalt  }
0x47: {  	_ =	shalt  }
0x48: {  	_ =	shalt  }
0x49: {  	_ =	shalt  }
0x4a: {  	_ =	shalt  }
0x4b: {  	_ =	shalt  }
0x4c: {  	_ =	shalt  }
0x4d: {  	_ =	shalt  }
0x4e: {  	_ =	shalt  }
0x4f: {  	_ =	shalt  }
0x50: {  	_ =	shalt  }
0x51: {  	_ =	shalt  }
0x52: {  	_ =	shalt  }
0x53: {  	_ =	shalt  }
0x54: {  	_ =	shalt  }
0x55: {  	_ =	shalt  }
0x56: {  	_ =	shalt  }
0x57: {  	_ =	shalt  }
0x58: {  	_ =	shalt  }
0x59: {  	_ =	shalt  }
0x5a: {  	_ =	shalt  }
0x5b: {  	_ =	shalt  }
0x5c: {  	_ =	shalt  }
0x5d: {  	_ =	shalt  }
0x5e: {  	_ =	shalt  }
0x5f: {  	_ =	shalt  }
0x60: {  	_ =	shalt  }
0x61: {  	_ =	shalt  }
0x62: {  	_ =	shalt  }
0x63: {  	_ =	shalt  }
0x64: {  	_ =	shalt  }
0x65: {  	_ =	shalt  }
0x66: {  	_ =	shalt  }
0x67: {  	_ =	shalt  }
0x68: {  	_ =	shalt  }
0x69: {  	_ =	shalt  }
0x6a: {  	_ =	shalt  }
0x6b: {  	_ =	shalt  }
0x6c: {  	_ =	shalt  }
0x6d: {  	_ =	shalt  }
0x6e: {  	_ =	shalt  }
0x6f: {  	_ =	shalt  }
0x70: {  	_ =	shalt  }
0x71: {  	_ =	shalt  }
0x72: {  	_ =	shalt  }
0x73: {  	_ =	shalt  }
0x74: {  	_ =	shalt  }
0x75: {  	_ =	shalt  }
0x76: {  	_ =	shalt  }
0x77: {  	_ =	shalt  }
0x78: {  	_ =	shalt  }
0x79: {  	_ =	shalt  }
0x7a: {  	_ =	shalt  }
0x7b: {  	_ =	shalt  }
0x7c: {  	_ =	shalt  }
0x7d: {  	_ =	shalt  }
0x7e: {  	_ =	shalt  }
0x7f: {  	_ =	shalt  }
0x80: {  	_ =	shalt  }
0x81: {  	_ =	shalt  }
0x82: {  	_ =	shalt  }
0x83: {  	_ =	shalt  }
0x84: {  	_ =	shalt  }
0x85: {  	_ =	shalt  }
0x86: {  	_ =	shalt  }
0x87: {  	_ =	shalt  }
.Lfunc_end0:
.L_simem_size_0:
called_computation_lowered:
.L_overlay_start_0:
0x88: {  	s2 =	sld [smem:$0x3FD9]  }
0x89: {  	s3 =	sld [smem:$0x3FFE];
	_ =	sdelay $0x1  }
0x8a: {  	s1 =	srdreg.scid  }
0x8b: {  	s0 =	sand.u32 $0x1, s1  }
0x8c: {  	s17 =	sshll.u32 s0, $0xA;
	s2 =	sadd.s32 s3, s2  }
0x8d: {  	s2 =	sadd.s32 s2, s17  }
0x8e: {  	[smem:$0x3FC3] =	sst s2  }
0x8f: {  	_ = 	snop  }
0x90: {  	s2 =	sld [smem:$0x3FC8]  }
0x91: {  	s18 =	sld [smem:$0x3FC7]  }
0x92: {  	s4 =	sld [smem:$0x3FD0];
	(tm) =	ssettm $0x1  }
0x93: {  	s5 =	sld [smem:$0x3FFB];
	_ =	sdelay $0x3  }
0x94: {  	_ =	strace s5  }
0x95: {  	s5 =	sld [smem:$0x3FFC];
	_ =	sdelay $0x3  }
0x96: {  	_ =	strace s5  }
0x97: {  	s5 =	sld [smem:$0x3FFD];
	_ =	sdelay $0x3  }
0x98: {  	_ =	strace s5  }
0x99: {  	_ =	strace $0x8FFFFFFF  }
0x9a: {  	s19 =	sld [smem:$0x3FDB];
	_ =	sdelay $0x1  }
0x9b: {  	s6 =	simm.s32 $_scs_section_size  }
0x9c: {  	s7 =	simm.s32 $_size__tile_overlayer_lowered;
	s8 =	simm.s32 $_tile_overlayer_lowered  }
0x9d: {  	s22 =	simm.s32 $0x1BFF;
	s21 =	sshll.u32 s8, $0x1;
	s5 =	sadd.s32 s6, s19  }
0x9e: {  	s9 =	simm.s32 $0x0;
	s20 =	sshll.u32 s7, $0x1;
	s7 =	sadd.s32 s21, s5  }
0x9f: {  	[timem:s9], [sflag:s22] =	dma.local [hbm:s7], s20  }
0xa0: {  	_ =	swait.ge [sflag:s22], s20  }
0xa1: {  	s6 =	ssub.s32 $0x0, s20;
	[sflag:s22] =	ssyncset.done $0x0  }
0xa2: {  	[sflag:s22] =	ssyncadd.s32 s6;
	_ =	sdelay $0x1  }
0xa3: {  	s23 =	simm.s32 $0x1B8B  }
0xa4: {  	_ =	swait.ge [sflag:s23], $0x1  }
0xa5: {  	[sflag:s23] =	ssyncset.done $0x0  }
0xa6: {  	s25 =	simm.s32 $0x1B8E;
	s24 =	sld [smem:$0x3FFE];
	[sflag:s23] =	ssyncadd.s32 $0xFFFFFFFF  }
0xa7: {  	s26 =	simm.s32 $execute0_lowered;
	[smem:$0x3FD2] =	sst s25  }
0xa8: {  	s7 =	sshll.u32 s26, $0x1;
	_ =	strace $0x80000046;
	[dreg:$0x1] =	wrdreg $0xFFFFFFFF  }
0xa9: {  	s28 =	simm.s32 $_size_execute0_lowered;
	s5 =	sadd.s32 s5, s7;
	[dreg:$0x0] =	wrdreg $0x0  }
0xaa: {  	s7 =	sshll.u32 s28, $0x1;
	[dreg:$0x2] =	wrdreg s5  }
0xab: {  	[dreg:$0x3] =	wrdreg s7  }
0xac: {  	[dreg:$0x4] =	wrdreg $0xC0  }
0xad: {  	_ =	task [dreg:s9], $0x5FFFF  }
0xae: {  	[dreg:$0x1] =	wrdreg $0xFFFFFFFF  }
0xaf: {  	[dreg:$0x0] =	wrdreg $0x60  }
0xb0: {  	[dreg:$0x2] =	wrdreg s24  }
0xb1: {  	[dreg:$0x3] =	wrdreg s2  }
0xb2: {  	[dreg:$0x4] =	wrdreg s18  }
0xb3: {  	[dreg:$0x5] =	wrdreg s4  }
0xb4: {  	[dreg:$0x6] =	wrdreg $0x4B00  }
0xb5: {  	[dreg:$0x7] =	wrdreg $0x9  }
0xb6: {  	_ =	task.clear_ibuf [dreg:s9], $0x8FFFF;
	_ =	strace $0x90000046  }
0xb7: {  	s29 =	simm.s32 $0x9;
	_ =	strace $0x80000048  }
0xb8: {  	_ =	swait.ge [sflag:s29], $0x1  }
0xb9: {  	[sflag:s29] =	ssyncadd.s32 $0xFFFFFFFF  }
0xba: {  	_ =	strace $0x90000048  }
0xbb: {  	_ =	sfence  }
0xbc: {  	s30 =	sld [smem:$0x0];
	_ =	sdelay $0x2  }
0xbd: {  	s31 =	sshll.u32 s1, $0xD;
	s1 =	sshrl.u32 s1, $0x2  }
0xbe: {  	s3 =	sand.u32 $0x4000, s31;
	s1 =	sadd.s32 s1, s30  }
0xbf: {  	s0 =	sor.u32 s3, s0;
	s1 =	sshll.u32 s1, $0x11  }
0xc0: {  	s0 =	sor.u32 s1, s0  }
0xc1: {  	s0 =	sadd.s32 $0x8F2B, s0  }
0xc2: {  	[sflag:s0] =	ssyncadd.remote.s32 $0x1  }
0xc3: {  	_ =	sfence.sel $0xFFFF  }
0xc4: {  	[dreg:$0x0] =	wrdreg $0xFFFFFFFF;
	(pc) =	sbr.abs _section_cstart, $3  }
0xc5: {  	[dreg:$0x1] =	wrdreg $0xFFFFFFFF  }
0xc6: {  	_ =	task.clear_ibuf [dreg:s9], $0x2FFFF;
	_ =	strace $0x9FFFFFFF  }
0xc7: {  	(tm) =	ssettm $0x7FFFFFFF  }
tec
execute0_lowered:
.L_overlay_start_1:
0x0: {  	(tag) =	ssettag $0x1  }
0x1: {  	s0 =	rddreg [dreg:$0x0]  }
0x2: {  	s1 =	rddreg [dreg:$0x1]  }
0x3: {  	s2 =	rddreg [dreg:$0x2]  }
0x4: {  	s3 =	rddreg [dreg:$0x3]  }
0x5: {  	s4 =	rddreg [dreg:$0x4]  }
0x6: {  	s5 =	simm.s32 $0x0;
	s14 =	stileid.u32;
	s8 =	srdreg.scid  }
0x7: {  	s16 =	simm.s32 $0x50;
	s24 =	simm.s32 $0xA0;
	s25 =	simm.s32 $0xF0  }
0x8: {  	s26 =	simm.s32 $0x140;
	s28 =	simm.s32 $0x6;
	s29 =	simm.s32 $0x7  }
0x9: {  	s30 =	simm.s32 $0x8;
	s31 =	simm.s32 $0x9;
	[smem:$0x7FF] =	sst s5  }
0xa: {  	s7 =	smul.u32 $0x4800, s14;
	s6 =	sadd.s32 $0x1000, s0;
	s8 =	sand.u32 $0x1, s8  }
0xb: {  	s12 =	sshll.u32 s14, $0x7;
	_ =	strace $0x80000047;
	[dreg:$0x7] =	wrdreg s24  }
0xc: {  	s19 =	sshll.u32 s14, $0x6;
	s10 =	ssub.s32 $0x2, s8;
	[dreg:$0x8] =	wrdreg s25  }
0xd: {  	s11 =	sshll.u32 s8, $0x4;
	s8 =	sshll.u32 s8, $0xB;
	[dreg:$0x9] =	wrdreg s26  }
0xe: {  	s24 =	simm.s32 $0x3;
	s25 =	simm.s32 $0x4;
	s26 =	simm.s32 $0x5  }
0xf: {  	s9 =	sshrl.u32 s7, $0x3;
	s17 =	sshrl.u32 s10, $0x1;
	s11 =	sor.u32 s14, s11  }
0x10: {  	s8 =	sor.u32 s12, s8;
	s7 =	sadd.s32 s7, s4;
	s13 =	smul.u32 $0x7D, s11  }
0x11: {  	s14 =	simm.s32 $0xB;
	s0 =	sadd.s32 s9, s0;
	s18 =	smul.u32 $0x4E2, s11  }
0x12: {  	s9 =	ssub.s32 s10, s17;
	s12 =	smul.u32 $0x12, s8;
	s0 =	sadd.s32 $0x2D000, s0  }
0x13: {  	s8 =	sor.u32 $0x1C0B, s19;
	s17 =	simm.s32 $0x4CB0;
	[dreg:$0xa] =	wrdreg s0  }
0x14: {  	s19 =	simm.s32 $0xA6B0;
	s23 =	smax.u32 s9, $0x1;
	[dreg:$0x6] =	wrdreg s13  }
0x15: {  	s20 =	sadd.s32 s1, s18;
	s21 =	sadd.s32 s2, s18;
	[dreg:$0xe] =	wrdreg s23  }
0x16: {  	s22 =	sadd.s32 s3, s12;
	s13 =	sshrl.u32 s7, $0x3;
	[dreg:$0xb] =	wrdreg s20  }
0x17: {  	s18 =	simm.s32 $0x79B0;
	s23 =	simm.s32 $0x2;
	[dreg:$0xc] =	wrdreg s21  }
0x18: {  	s0 =	simm.s32 $0xA;
	s3 =	simm.s32 $0x0;
	[dreg:$0xd] =	wrdreg s22  }
0x19: {  	s20 =	simm.s32 $0xD3B0;
	s21 =	simm.s32 $0x100B0;
	s22 =	simm.s32 $0x1  }
.LBB2_1:
0x1a: {  	s7 =	rddreg [dreg:$0xa]  }
0x1b: {  	[spmem:s13], [sflag:s8] =	dma.local [hbm:s7], $0x900  }
0x1c: {  	_ =	swait.ge [sflag:s14], $0x900  }
0x1d: {  	[sflag:s14] =	ssyncset.done $0x0  }
0x1e: {  	s10 =	rddreg [dreg:$0xb];
	[sflag:s14] =	ssyncadd.s32 $0xFFFFF700  }
0x1f: {  	[tilespmem:s5], [sflag:$0xB] =	stream.linear.gather [hbm4b:s10+s5], $0x190, $0x38;
	[tilespmem:$0x12DB0] =	vst v63  }
0x20: {  	_ =	swait.ge [sflag:s14], $0x190  }
0x21: {  	[sflag:s14] =	ssyncset.done $0x0  }
0x22: {  	s9 =	simm.s32 $0x190;
	s11 =	rddreg [dreg:$0xc];
	[sflag:s14] =	ssyncadd.s32 $0xFFFFFE70  }
0x23: {  	[tilespmem:s9], [sflag:$0xB] =	stream.linear.gather [hbm4b:s11+s5], $0x190, $0x38;
	[tilespmem:$0x12DB0] =	vst v63  }
0x24: {  	_ =	swait.ge [sflag:s14], $0x190  }
0x25: {  	[sflag:s14] =	ssyncset.done $0x0  }
0x26: {  	[sflag:s14] =	ssyncadd.s32 $0xFFFFFE70  }
0x27: {  	[bflag:$0x0] =	sbarrier.arrive $0xFFFF  }
0x28: {  	[tilespmem:s17], [sflag:$0x1] =	stream.indirect.gather [hbm4b:s6+s16], $0x90, s5, s16, $0xb8;
	[tilespmem:$0x12DB0] =	vst v63  }
0x29: {  	_ = 	snop  }
0x2a: {  	[tilespmem:s18], [sflag:$0x2] =	stream.indirect.gather [hbm4b:s6+s16], $0x90, s16, s16, $0xb8;
	[tilespmem:$0x12DB0] =	vst v63  }
0x2b: {  	s12 =	rddreg [dreg:$0x7]  }
0x2c: {  	[tilespmem:s19], [sflag:$0x3] =	stream.indirect.gather [hbm4b:s6+s16], $0x90, s12, s16, $0xb8;
	[tilespmem:$0x12DB0] =	vst v63  }
0x2d: {  	s9 =	sand.u32 $0x1, s5;
	s15 =	rddreg [dreg:$0x8]  }
0x2e: {  	[tilespmem:s20], [sflag:$0x4] =	stream.indirect.gather [hbm4b:s6+s16], $0x90, s15, s16, $0xb8;
	[tilespmem:$0x12DB0] =	vst v63  }
0x2f: {  	s11 =	smul.u32 $0x640, s9;
	s10 =	rddreg [dreg:$0x9]  }
0x30: {  	[tilespmem:s21], [sflag:$0x5] =	stream.indirect.gather [hbm4b:s6+s16], $0x90, s10, s16, $0xb8;
	[tilespmem:$0x12DB0] =	vst v63  }
0x31: {  	_ =	swait.ge [sflag:s22], $0x2D00  }
0x32: {  	s7 =	sshrl.u32 s11, $0x2;
	[sflag:s22] =	ssyncset.done $0x0  }
0x33: {  	s15 =	sadd.s32 $0x190, s7;
	[sflag:s22] =	ssyncadd.s32 $0xFFFFD300  }
0x34: {  	[spmem:s4] =	stream.indirect.scatter.add.f32 [tilespmem:s17], [sflag:$0x6], $0x90, s15, s16, $0xb8;
	[tilespmem:$0x12DB0] =	vst v63  }
0x35: {  	_ =	swait.ge [sflag:s23], $0x2D00  }
0x36: {  	[sflag:s23] =	ssyncset.done $0x0  }
0x37: {  	s12 =	sadd.s32 $0x1E0, s7;
	[sflag:s23] =	ssyncadd.s32 $0xFFFFD300  }
0x38: {  	[spmem:s4] =	stream.indirect.scatter.add.f32 [tilespmem:s18], [sflag:$0x7], $0x90, s12, s16, $0xb8;
	[tilespmem:$0x12DB0] =	vst v63  }
0x39: {  	_ =	swait.ge [sflag:s24], $0x2D00  }
0x3a: {  	[sflag:s24] =	ssyncset.done $0x0  }
0x3b: {  	s10 =	sadd.s32 $0x230, s7;
	[sflag:s24] =	ssyncadd.s32 $0xFFFFD300  }
0x3c: {  	[spmem:s4] =	stream.indirect.scatter.add.f32 [tilespmem:s19], [sflag:$0x8], $0x90, s10, s16, $0xb8;
	[tilespmem:$0x12DB0] =	vst v63  }
0x3d: {  	_ =	swait.ge [sflag:s25], $0x2D00  }
0x3e: {  	[sflag:s25] =	ssyncset.done $0x0  }
0x3f: {  	s11 =	sadd.s32 $0x280, s7;
	[sflag:s25] =	ssyncadd.s32 $0xFFFFD300  }
0x40: {  	[spmem:s4] =	stream.indirect.scatter.add.f32 [tilespmem:s20], [sflag:$0x9], $0x90, s11, s16, $0xb8;
	[tilespmem:$0x12DB0] =	vst v63  }
0x41: {  	_ =	swait.ge [sflag:s26], $0x2D00  }
0x42: {  	s10 =	smin.u32 s26, $0x78;
	s12 =	rddreg [dreg:$0x6]  }
0x43: {  	s7 =	sadd.s32 $0x2D0, s7;
	[sflag:s26] =	ssyncset.done $0x0;
	s10 =	sadd.s32 s12, s10  }
0x44: {  	[sflag:s26] =	ssyncadd.s32 $0xFFFFD300;
	s12 =	sxor.u32 $0x1, s9;
	s10 =	smul.u32 $0xA, s10  }
0x45: {  	[spmem:s4] =	stream.indirect.scatter.add.f32 [tilespmem:s21], [sflag:$0xA], $0x90, s7, s16, $0xb8;
	[tilespmem:$0x12DB0] =	vst v63  }
0x46: {  	s7 =	smul.u32 $0x640, s12;
	s11 =	sadd.s32 s1, s10  }
0x47: {  	[tilespmem:s5], [sflag:$0xB] =	stream.linear.gather [hbm4b:s11+s5], $0x190, $0x38;
	[tilespmem:$0x12DB0] =	vst v63  }
0x48: {  	_ =	swait.ge [sflag:s14], $0x190  }
0x49: {  	s7 =	sshrl.u32 s7, $0x2;
	[sflag:s14] =	ssyncset.done $0x0  }
0x4a: {  	s15 =	sadd.s32 s2, s10;
	s7 =	sadd.s32 $0x190, s7;
	[sflag:s14] =	ssyncadd.s32 $0xFFFFFE70  }
0x4b: {  	[tilespmem:s7], [sflag:$0xB] =	stream.linear.gather [hbm4b:s15+s5], $0x190, $0x38;
	[tilespmem:$0x12DB0] =	vst v63  }
0x4c: {  	_ =	swait.ge [sflag:s14], $0x190  }
0x4d: {  	[sflag:s14] =	ssyncset.done $0x0  }
0x4e: {  	[sflag:s14] =	ssyncadd.s32 $0xFFFFFE70  }
0x4f: {  	_ =	swait.ge [sflag:s28], $0x2D00  }
0x50: {  	[sflag:s28] =	ssyncset.done $0x0  }
0x51: {  	[sflag:s28] =	ssyncadd.s32 $0xFFFFD300  }
0x52: {  	_ =	swait.ge [sflag:s29], $0x2D00  }
0x53: {  	[sflag:s29] =	ssyncset.done $0x0  }
0x54: {  	[sflag:s29] =	ssyncadd.s32 $0xFFFFD300  }
0x55: {  	_ =	swait.ge [sflag:s30], $0x2D00  }
0x56: {  	[sflag:s30] =	ssyncset.done $0x0  }
0x57: {  	[sflag:s30] =	ssyncadd.s32 $0xFFFFD300  }
0x58: {  	_ =	swait.ge [sflag:s31], $0x2D00  }
0x59: {  	[sflag:s31] =	ssyncset.done $0x0  }
0x5a: {  	[sflag:s31] =	ssyncadd.s32 $0xFFFFD300  }
0x5b: {  	s15 =	simm.s32 $0xA;
	s7 =	simm.s32 $0x0;
	_ =	swait.ge [sflag:s0], $0x2D00  }
.LBB2_2:
0x5c: {  	[sflag:s0] =	ssyncset.done $0x0  }
0x5d: {  	[sflag:s0] =	ssyncadd.s32 $0xFFFFD300  }
0x5e: {  	[tilespmem:s17], [sflag:$0x1] =	stream.indirect.gather [hbm4b:s6+s16], $0x90, s5, s16, $0xb8;
	[tilespmem:$0x12DB0] =	vst v63  }
0x5f: {  	_ = 	snop  }
0x60: {  	[tilespmem:s18], [sflag:$0x2] =	stream.indirect.gather [hbm4b:s6+s16], $0x90, s16, s16, $0xb8;
	[tilespmem:$0x12DB0] =	vst v63  }
0x61: {  	s10 =	rddreg [dreg:$0x7]  }
0x62: {  	[tilespmem:s19], [sflag:$0x3] =	stream.indirect.gather [hbm4b:s6+s16], $0x90, s10, s16, $0xb8;
	[tilespmem:$0x12DB0] =	vst v63  }
0x63: {  	s7 =	sadd.s32 $0x1, s7;
	s11 =	rddreg [dreg:$0x8]  }
0x64: {  	[tilespmem:s20], [sflag:$0x4] =	stream.indirect.gather [hbm4b:s6+s16], $0x90, s11, s16, $0xb8;
	[tilespmem:$0x12DB0] =	vst v63  }
0x65: {  	s12 =	rddreg [dreg:$0x9];
	s11 =	sand.u32 $0x1, s7  }
0x66: {  	[tilespmem:s21], [sflag:$0x5] =	stream.indirect.gather [hbm4b:s6+s16], $0x90, s12, s16, $0xb8;
	[tilespmem:$0x12DB0] =	vst v63  }
0x67: {  	s12 =	smul.u32 $0x640, s11  }
0x68: {  	_ =	swait.ge [sflag:s22], $0x2D00  }
0x69: {  	[sflag:s22] =	ssyncset.done $0x0;
	s10 =	sshrl.u32 s12, $0x2  }
0x6a: {  	[sflag:s22] =	ssyncadd.s32 $0xFFFFD300;
	s12 =	sadd.s32 $0x190, s10  }
0x6b: {  	[spmem:s4] =	stream.indirect.scatter.add.f32 [tilespmem:s17], [sflag:$0x6], $0x90, s12, s16, $0xb8;
	[tilespmem:$0x12DB0] =	vst v63  }
0x6c: {  	_ =	swait.ge [sflag:s23], $0x2D00  }
0x6d: {  	[sflag:s23] =	ssyncset.done $0x0  }
0x6e: {  	s12 =	sadd.s32 $0x1E0, s10;
	[sflag:s23] =	ssyncadd.s32 $0xFFFFD300  }
0x6f: {  	[spmem:s4] =	stream.indirect.scatter.add.f32 [tilespmem:s18], [sflag:$0x7], $0x90, s12, s16, $0xb8;
	[tilespmem:$0x12DB0] =	vst v63  }
0x70: {  	_ =	swait.ge [sflag:s24], $0x2D00  }
0x71: {  	[sflag:s24] =	ssyncset.done $0x0  }
0x72: {  	s12 =	sadd.s32 $0x230, s10;
	[sflag:s24] =	ssyncadd.s32 $0xFFFFD300  }
0x73: {  	[spmem:s4] =	stream.indirect.scatter.add.f32 [tilespmem:s19], [sflag:$0x8], $0x90, s12, s16, $0xb8;
	[tilespmem:$0x12DB0] =	vst v63  }
0x74: {  	_ =	swait.ge [sflag:s25], $0x2D00  }
0x75: {  	[sflag:s25] =	ssyncset.done $0x0  }
0x76: {  	s12 =	sadd.s32 $0x280, s10;
	[sflag:s25] =	ssyncadd.s32 $0xFFFFD300  }
0x77: {  	[spmem:s4] =	stream.indirect.scatter.add.f32 [tilespmem:s20], [sflag:$0x9], $0x90, s12, s16, $0xb8;
	[tilespmem:$0x12DB0] =	vst v63  }
0x78: {  	s9 =	smov.u32 s15;
	_ =	swait.ge [sflag:s26], $0x2D00  }
0x79: {  	s9 =	smin.u32 s9, $0x78;
	s12 =	rddreg [dreg:$0x6]  }
0x7a: {  	s11 =	sxor.u32 $0x1, s11;
	[sflag:s26] =	ssyncset.done $0x0;
	s9 =	sadd.s32 s12, s9  }
0x7b: {  	s10 =	sadd.s32 $0x2D0, s10;
	[sflag:s26] =	ssyncadd.s32 $0xFFFFD300;
	s9 =	smul.u32 $0xA, s9  }
0x7c: {  	[spmem:s4] =	stream.indirect.scatter.add.f32 [tilespmem:s21], [sflag:$0xA], $0x90, s10, s16, $0xb8;
	[tilespmem:$0x12DB0] =	vst v63  }
0x7d: {  	s11 =	smul.u32 $0x640, s11;
	s12 =	sadd.s32 s1, s9  }
0x7e: {  	[tilespmem:s5], [sflag:$0xB] =	stream.linear.gather [hbm4b:s12+s5], $0x190, $0x38;
	[tilespmem:$0x12DB0] =	vst v63  }
0x7f: {  	_ =	swait.ge [sflag:s14], $0x190  }
0x80: {  	s11 =	sshrl.u32 s11, $0x2;
	[sflag:s14] =	ssyncset.done $0x0  }
0x81: {  	s9 =	sadd.s32 s2, s9;
	s12 =	sadd.s32 $0x190, s11;
	[sflag:s14] =	ssyncadd.s32 $0xFFFFFE70  }
0x82: {  	[tilespmem:s12], [sflag:$0xB] =	stream.linear.gather [hbm4b:s9+s5], $0x190, $0x38;
	[tilespmem:$0x12DB0] =	vst v63  }
0x83: {  	_ =	swait.ge [sflag:s14], $0x190  }
0x84: {  	[sflag:s14] =	ssyncset.done $0x0  }
0x85: {  	[sflag:s14] =	ssyncadd.s32 $0xFFFFFE70  }
0x86: {  	_ =	swait.ge [sflag:s28], $0x2D00  }
0x87: {  	[sflag:s28] =	ssyncset.done $0x0  }
0x88: {  	[sflag:s28] =	ssyncadd.s32 $0xFFFFD300  }
0x89: {  	_ =	swait.ge [sflag:s29], $0x2D00  }
0x8a: {  	[sflag:s29] =	ssyncset.done $0x0  }
0x8b: {  	[sflag:s29] =	ssyncadd.s32 $0xFFFFD300  }
0x8c: {  	_ =	swait.ge [sflag:s30], $0x2D00  }
0x8d: {  	p0 =	sne.s32 s15, $0x7D;
	[sflag:s30] =	ssyncset.done $0x0  }
.Ltmp0:
0x8e: {  	[sflag:s30] =	ssyncadd.s32 $0xFFFFD300;
	(pc) =	sbr.rel @p0 .LBB2_2-.Ltmp0, $4  }
0x8f: {  	_ =	swait.ge [sflag:s31], $0x2D00  }
0x90: {  	[sflag:s31] =	ssyncset.done $0x0  }
0x91: {  	[sflag:s31] =	ssyncadd.s32 $0xFFFFD300  }
0x92: {  	s15 =	sadd.s32 $0x5, s15;
	_ =	swait.ge [sflag:s0], $0x2D00  }
0x93: {  	[sflag:s0] =	ssyncset.done $0x0  }
0x94: {  	[sflag:s0] =	ssyncadd.s32 $0xFFFFD300  }
0x95: {  	[bflag:$0x0] =	sbarrier.arrive $0xFFFF  }
0x96: {  	s7 =	rddreg [dreg:$0xd]  }
0x97: {  	[hbm:s7], [sflag:s8] =	dma.local [spmem:s13], $0x900  }
0x98: {  	_ =	swait.ge [sflag:s14], $0x900  }
0x99: {  	s3 =	sadd.s32 $0x1, s3;
	s15 =	rddreg [dreg:$0xe]  }
0x9a: {  	p0 =	sne.s32 s3, s15  }
.Ltmp1:
0x9b: {  	_ = 	snop;
	(pc) =	sbr.rel @p0 .LBB2_1-.Ltmp1, $3  }
0x9c: {  	_ =	sdelay $0x1  }
0x9d: {  	[sflag:s14] =	ssyncset.done $0x0  }
0x9e: {  	[sflag:s14] =	ssyncadd.s32 $0xFFFFF700  }
0x9f: {  	_ =	sfence.sel $0x180000  }
0xa0: {  	[bflag:$0x0] =	sbarrier.arrive $0xFFFF  }
0xa1: {  	_ =	strace $0x90000047  }
0xa2: {  	s0 =	stileid.u32;
	[bflag:$0x2] =	sbarrier.arrive $0xFFFF  }
0xa3: {  	p0 =	sne.s32 s0, $0x0;
	s0 =	rddreg [dreg:$0x5]  }
0xa4: {  	s0 =	sadd.s32 @!p0 $0x100000, s0  }
0xa5: {  	[sflag:s0] =	ssyncadd.tile.s32 @!p0 $0x1;
	_ =	shalt  }
.Lfunc_end2:
_tile_overlayer_lowered:
.L_overlay_start_2:
0xa6: {  	(tag) =	ssettag $0x2  }
0xa7: {  	s0 =	rddreg [dreg:$0x0];
	s2 =	stileid.u32  }
0xa8: {  	s1 =	rddreg [dreg:$0x1];
	p0 =	sne.s32 s2, $0x0  }
0xa9: {  	s3 =	rddreg [dreg:$0x2];
	[bflag:$0x3] =	sbarrier.arrive $0xFFFF;
	s2 =	simm.s32 @!p0 $0x1C0B  }
0xaa: {  	[timem:s3], [sflag:s2] =	dma.local @!p0 [hbm:s0], s1  }
0xab: {  	s0 =	simm.s32 @!p0 $0xB  }
0xac: {  	_ =	swait.ge @!p0 [sflag:s0], s1  }
0xad: {  	s1 =	ssub.s32 @!p0 $0x0, s1;
	[sflag:s0] =	ssyncset.done @!p0 $0x0  }
0xae: {  	[sflag:s0] =	ssyncadd.s32 @!p0 s1  }
0xaf: {  	[bflag:$0x3] =	sbarrier.arrive $0xFFFF  }
0xb0: {  	_ =	shalt  }

</sc_bundles>
